<compile_context>
chip_gen: v7x
topology: tpu7x:2x2x1
jax: 0.10.2.dev20260603
libtpu: 0.0.44.dev20260713+nightly
codegen_flags: <defaults>
</compile_context>

<pallas_src>
import functools

import jax
import jax.numpy as jnp
from jax import lax
from jax.experimental import pallas as pl
from jax.experimental.pallas import tpu as pltpu
from jax.experimental.pallas import tpu_sc as plsc


def _expert_body(x_ref, w1_ref, b1_ref, w2_ref, b2_ref, g_ref,
                 out_ref, diag_ref, acc_o, acc_s1, acc_s2, *, n_e):
    e = pl.program_id(1)

    h = jnp.dot(x_ref[...], w1_ref[0], preferred_element_type=jnp.float32)
    h = jnp.maximum(h + b1_ref[0], 0.0)
    ex = jnp.dot(h.astype(jnp.bfloat16), w2_ref[0],
                 preferred_element_type=jnp.float32)
    ex = ex + b2_ref[0]
    sel = jax.lax.broadcasted_iota(jnp.int32, (1, n_e), 1) == e
    g = jnp.sum(jnp.where(sel, g_ref[...], 0.0), axis=1, keepdims=True)

    @pl.when(e == 0)
    def _():
        acc_o[...] = ex * g
        acc_s1[...] = ex
        acc_s2[...] = ex * ex

    @pl.when(e > 0)
    def _():
        acc_o[...] += ex * g
        acc_s1[...] += ex
        acc_s2[...] += ex * ex

    @pl.when(e == n_e - 1)
    def _():
        out_ref[...] = acc_o[...]
        s1 = acc_s1[...]
        diag_ref[...] = (acc_s2[...] - s1 * s1 * (1.0 / n_e)) * (1.0 / (n_e - 1))


def _experts_and_combine(xf, w1bf, b1, w2bf, b2, gate, *, interpret=False):
    Bn, CD = xf.shape
    E, _, H = w1bf.shape
    K = w2bf.shape[2]
    BT = min(512, Bn)
    grid = (Bn // BT, E)
    return pl.pallas_call(
        functools.partial(_expert_body, n_e=E),
        grid=grid,
        in_specs=[
            pl.BlockSpec((BT, CD), lambda i, e: (i, 0)),
            pl.BlockSpec((1, CD, H), lambda i, e: (e, 0, 0)),
            pl.BlockSpec((1, 1, H), lambda i, e: (e, 0, 0)),
            pl.BlockSpec((1, H, K), lambda i, e: (e, 0, 0)),
            pl.BlockSpec((1, 1, K), lambda i, e: (e, 0, 0)),
            pl.BlockSpec((BT, E), lambda i, e: (i, 0)),
        ],
        out_specs=[
            pl.BlockSpec((BT, K), lambda i, e: (i, 0)),
            pl.BlockSpec((BT, K), lambda i, e: (i, 0)),
        ],
        out_shape=[
            jax.ShapeDtypeStruct((Bn, K), jnp.float32),
            jax.ShapeDtypeStruct((Bn, K), jnp.float32),
        ],
        scratch_shapes=[
            pltpu.VMEM((BT, K), jnp.float32),
            pltpu.VMEM((BT, K), jnp.float32),
            pltpu.VMEM((BT, K), jnp.float32),
        ],
        compiler_params=pltpu.CompilerParams(
            dimension_semantics=("parallel", "arbitrary"),
            vmem_limit_bytes=63 * 1024 * 1024,
        ),
        interpret=interpret,
    )(xf, w1bf, b1[:, None, :], w2bf, b2[:, None, :], gate)


def _gate_body(x_ref, wg_ref, bg_ref, out_ref, *, c):
    gl = jnp.dot(x_ref[...], wg_ref[...],
                 preferred_element_type=jnp.float32) + bg_ref[...]
    m = jnp.max(gl, axis=1, keepdims=True)
    p = jnp.exp(gl - m)
    g = p / jnp.sum(p, axis=1, keepdims=True)
    bt, n_e = out_ref.shape
    out_ref[...] = jnp.sum(g.reshape(bt, c, n_e), axis=1) * (1.0 / c)


def _gate_tc(x2, wg, bg, bn, c):
    d = x2.shape[1]
    n_e = wg.shape[1]
    BT = 256
    return pl.pallas_call(
        functools.partial(_gate_body, c=c),
        grid=(bn // BT,),
        in_specs=[
            pl.BlockSpec((BT * c, d), lambda i: (i, 0)),
            pl.BlockSpec((d, n_e), lambda i: (0, 0)),
            pl.BlockSpec((1, n_e), lambda i: (0, 0)),
        ],
        out_specs=pl.BlockSpec((BT, n_e), lambda i: (i, 0)),
        out_shape=jax.ShapeDtypeStruct((bn, n_e), jnp.float32),
        compiler_params=pltpu.CompilerParams(
            dimension_semantics=("arbitrary",),
        ),
    )(x2, wg, bg[None, :])


def _top2(vs):
    n = len(vs)

    def vi(c):
        return jnp.full((16,), c, jnp.int32)

    def vf(c):
        return jnp.full((16,), c, jnp.float32)

    m1 = vs[0]
    for e in range(1, n):
        m1 = jnp.maximum(m1, vs[e])
    i1 = vi(n - 1)
    for e in range(n - 2, -1, -1):
        i1 = jnp.where(vs[e] == m1, vi(e), i1)
    vs2 = [jnp.where(i1 == vi(e), vf(-1.0), vs[e]) for e in range(n)]
    m2 = vs2[0]
    for e in range(1, n):
        m2 = jnp.maximum(m2, vs2[e])
    i2 = vi(n - 1)
    for e in range(n - 2, -1, -1):
        i2 = jnp.where(vs2[e] == m2, vi(e), i2)
    return m1, i1, m2, i2


def _route_body(gate_ref, out_ref, gv, fg, cnt_v, all_cnts, shared_cnts,
                *, n_e, rows_per_sub, capacity):
    wid = lax.axis_index("s")
    base = wid * rows_per_sub
    ng = rows_per_sub // 16
    pltpu.sync_copy(gate_ref.at[:, pl.ds(base, rows_per_sub)], gv)
    iota = lax.broadcasted_iota(jnp.int32, (16,), 0)

    def vi(c):
        return jnp.full((16,), c, jnp.int32)

    def vf(c):
        return jnp.full((16,), c, jnp.float32)

    zf = jnp.zeros((16,), jnp.float32)

    def p1_body(g, cnt):
        vs = [gv[e, pl.ds(g * 16, 16)] for e in range(n_e)]
        m1, i1, m2, i2 = _top2(vs)
        for e in range(n_e):
            hot = ((i1 == vi(e)) | (i2 == vi(e))).astype(jnp.float32)
            cnt = cnt + jnp.where(iota == vi(e), vf(jnp.sum(hot)), zf)
        return cnt

    cnt = lax.fori_loop(0, ng, p1_body, zf)
    cnt_v[...] = cnt
    pltpu.sync_copy(cnt_v, shared_cnts.at[wid])
    plsc.subcore_barrier()
    pltpu.sync_copy(shared_cnts, all_cnts)

    carry0 = zf
    for w in range(16):
        scale = jnp.where(wid > w, jnp.float32(1.0), jnp.float32(0.0))
        carry0 = carry0 + all_cnts[w] * vf(scale)
    carrys = tuple(jnp.sum(jnp.where(iota == vi(e), carry0, zf))
                   for e in range(n_e))

    def p2_body(g, carrys_t):
        carrys = list(carrys_t)
        vs = [gv[e, pl.ds(g * 16, 16)] for e in range(n_e)]
        m1, i1, m2, i2 = _top2(vs)
        masked = []
        cap_v = vf(capacity)
        for e in range(n_e):
            hot = ((i1 == vi(e)) | (i2 == vi(e))).astype(jnp.float32)
            incl = plsc.cumsum(hot) + vf(carrys[e])
            carrys[e] = carrys[e] + jnp.sum(hot)
            masked.append(jnp.where(incl > cap_v, zf, vs[e]))
        n1, j1, n2, j2 = _top2(masked)
        for e in range(n_e):
            fg[e, pl.ds(g * 16, 16)] = jnp.where(
                j1 == vi(e), n1, jnp.where(j2 == vi(e), n2, zf))
        return tuple(carrys)

    lax.fori_loop(0, ng, p2_body, carrys)
    pltpu.sync_copy(fg, out_ref.at[:, pl.ds(base, rows_per_sub)])


def _route_sc(gate_t, n_e, bn, capacity):
    rows_per_sub = bn // 16
    mesh = plsc.VectorSubcoreMesh(core_axis_name="c", subcore_axis_name="s",
                                  num_cores=1)
    f = functools.partial(_route_body, n_e=n_e, rows_per_sub=rows_per_sub,
                          capacity=capacity)
    return pl.kernel(
        f,
        mesh=mesh,
        out_type=jax.ShapeDtypeStruct((n_e, bn), jnp.float32),
        scratch_types=[
            pltpu.VMEM((n_e, rows_per_sub), jnp.float32),
            pltpu.VMEM((n_e, rows_per_sub), jnp.float32),
            pltpu.VMEM((16,), jnp.float32),
            pltpu.VMEM((16, 16), jnp.float32),
            pltpu.VMEM_SHARED((16, 16), jnp.float32),
        ],
        compiler_params=pltpu.CompilerParams(needs_layout_passes=False),
    )(gate_t)


def kernel(x, Wg, bg, W1, b1, W2, b2):
    Bn, C, D = x.shape
    E = Wg.shape[1]
    gate = _gate_tc(x.reshape(Bn * C, D), Wg, bg, Bn, C)

    final_gate = _route_sc(gate.T, E, Bn, 2.4 * Bn / E).T

    xf = x.reshape(Bn, C * D).astype(jnp.bfloat16)
    out, diag = _experts_and_combine(
        xf, W1.astype(jnp.bfloat16), b1, W2.astype(jnp.bfloat16), b2,
        final_gate)
    return (out, diag)

# --- scband reference (transcript-rebuilt; emitter-appended) ---
"""Pipeline reference for scband-moe-model-24996709663412 (READ-ONLY COPY).

The authoritative reference and input builder live on the scoring server;
editing this copy changes nothing except your own understanding.
"""

import jax, jax.numpy as jnp
import numpy as np

B = 4096
C = 8        # input_channel
D = 1024     # input_dim
E = 8        # num_experts
H = 1024     # expert hidden dim
K = 128      # expert output dim
TOPK = 2
CAP_F = 2.4


def setup_inputs(seed: int = 0) -> dict:
    key = jax.random.key(seed)
    ks = jax.random.split(key, 6)
    x = jax.random.normal(ks[0], (B, C, D), dtype=jnp.float32)
    Wg = jax.random.normal(ks[1], (D, E), dtype=jnp.float32) * 0.01
    bg = jnp.zeros((E,), jnp.float32)
    W1 = jax.random.normal(ks[2], (E, C * D, H), dtype=jnp.float32) * 0.01
    b1 = jnp.zeros((E, H), jnp.float32)
    W2 = jax.random.normal(ks[3], (E, H, K), dtype=jnp.float32) * 0.01
    b2 = jnp.zeros((E, K), jnp.float32)
    return {"x": x, "Wg": Wg, "bg": bg, "W1": W1, "b1": b1, "W2": W2, "b2": b2}


def reference(x, Wg, bg, W1, b1, W2, b2):
    Bn = x.shape[0]
    # gate: Linear(input_dim -> num_experts) + softmax, then sum over channel dim / input_channel
    gate_logits = jnp.einsum('bcd,de->bce', x, Wg) + bg
    gate = jax.nn.softmax(gate_logits, axis=-1)
    gate = jnp.einsum('bce->be', gate) / C
    # experts: stacked two-layer MLPs on flattened input (TwoLayerModel returns (out, hidden); we use out)
    xf = x.reshape(Bn, C * D)
    h = jax.nn.relu(jnp.einsum('bf,efh->beh', xf, W1) + b1[None, :, :])
    experts = jnp.einsum('beh,ehk->bek', h, W2) + b2[None, :, :]  # [B, E, K]
    # capacity-constrained top-k gating
    topk_values, topk_indices = jax.lax.top_k(gate, TOPK)
    capacity = CAP_F * Bn / E
    rows = jnp.arange(Bn)[:, None]
    tophot = jnp.zeros_like(gate).at[rows, topk_indices].set(1.0)
    topsum = jnp.cumsum(tophot, axis=0)
    mask = topsum > capacity
    gate = jnp.where(mask, jnp.zeros_like(gate), gate)
    topk_values, topk_indices = jax.lax.top_k(gate, TOPK)
    gate = jnp.zeros_like(gate).at[rows, topk_indices].set(topk_values)
    # mixture output
    output = jnp.einsum('bek,be->bk', experts, gate)
    # covariance diagnostics across experts
    mean_experts = jnp.mean(experts, axis=1, keepdims=True)
    centered = experts - mean_experts
    covariance = jnp.einsum('bek,bel->bkl', centered, centered) / (E - 1)
    diag_covariance = jnp.diagonal(covariance, axis1=-2, axis2=-1)
    return (output, diag_covariance)

if __name__ == "__main__":
    import jax
    _d = setup_inputs()
    print(jax.jit(kernel)(*tuple(_d.values())))

</pallas_src>

<mosaic_0001>
#map = affine_map<(d0, d1) -> (0, 0)>
module attributes {stable_mosaic.version = 14 : i64} {
  func.func @_route_body(%arg0: i32, %arg1: i32, %arg2: memref<8x4096xf32, #tpu.memory_space<hbm>>, %arg3: memref<8x4096xf32, #tpu.memory_space<hbm>>, %arg4: memref<8x256xf32, #tpu.memory_space<vmem>>, %arg5: memref<8x256xf32, #tpu.memory_space<vmem>>, %arg6: memref<16xf32, #tpu.memory_space<vmem>>, %arg7: memref<16x16xf32, #tpu.memory_space<vmem>>, %arg8: memref<16x16xf32, #tpu.memory_space<vmem_shared>>) attributes {dimension_semantics = [#tpu.dimension_semantics<core_parallel>, #tpu.dimension_semantics<subcore_parallel>], iteration_bounds = array<i64: 1, 16>, scalar_prefetch = 0 : i64, scratch_operands = 5 : i64, tpu.core_type = #tpu.core_type<sc_vector_subcore>, window_params = [{transform_indices = #map}, {transform_indices = #map}]} {
    %mul3A = arith.constant 256 : i32
    %mul3A_0 = arith.muli %arg1, %mul3A : i32
    "tpu.region"() ({
      %run_scoped3A = tpu.sem_alloc : memref<!tpu.dma_semaphore, #tpu.memory_space<semaphore_mem>>
      %dma_start3A = arith.constant 0 : i32
      %dma_start3A_263 = tpu.memref_slice %arg2[%dma_start3A, %mul3A_0] : memref<8x4096xf32, #tpu.memory_space<hbm>> -> memref<8x256xf32, #tpu.memory_space<hbm>>
      %dma_start3A_264 = arith.constant 0 : i32
      %dma_start3A_265 = tpu.memref_slice %arg2[%dma_start3A_264, %mul3A_0] : memref<8x4096xf32, #tpu.memory_space<hbm>> -> memref<8x256xf32, #tpu.memory_space<hbm>>
      tpu.enqueue_dma source(%dma_start3A_265 : memref<8x256xf32, #tpu.memory_space<hbm>>) target(%arg4 : memref<8x256xf32, #tpu.memory_space<vmem>>) target_semaphore(%run_scoped3A : memref<!tpu.dma_semaphore, #tpu.memory_space<semaphore_mem>>)
      %dma_wait3A = arith.constant 0 : i32
      %dma_wait3A_266 = tpu.memref_slice %arg2[%dma_wait3A, %mul3A_0] : memref<8x4096xf32, #tpu.memory_space<hbm>> -> memref<8x256xf32, #tpu.memory_space<hbm>>
      %dma_wait3A_267 = arith.constant 0 : i32
      %dma_wait3A_268 = tpu.memref_slice %arg2[%dma_wait3A_267, %mul3A_0] : memref<8x4096xf32, #tpu.memory_space<hbm>> -> memref<8x256xf32, #tpu.memory_space<hbm>>
      tpu.wait_dma2 semaphore(%run_scoped3A : memref<!tpu.dma_semaphore, #tpu.memory_space<semaphore_mem>>) src(%dma_wait3A_268 : memref<8x256xf32, #tpu.memory_space<hbm>>) dst(%arg4 : memref<8x256xf32, #tpu.memory_space<vmem>>)
      tpu.yield
    }) : () -> ()
    %iota3A = tpu.iota {dimensions = array<i32: 0>} : vector<16xi32>
    %broadcast_in_dim3A = arith.constant 0.000000e+00 : f32
    %broadcast_in_dim3A_1 = vector.broadcast %broadcast_in_dim3A : f32 to vector<16xf32>
    %scan3A = arith.constant 0 : i32
    %scan3A_2 = arith.constant 16 : i32
    %scan3A_3 = arith.addi %scan3A, %scan3A_2 : i32
    %scan3A_4 = arith.constant 1 : i32
    %scan3A_5 = scf.for %scan3A_263 = %scan3A to %scan3A_3 step %scan3A_4 iter_args(%scan3A_264 = %broadcast_in_dim3A_1) -> (vector<16xf32>)  : i32 {
      %mul3A_265 = arith.constant 16 : i32
      %mul3A_266 = arith.muli %scan3A_263, %mul3A_265 : i32
      %get3A_267 = arith.constant 0 : i32
      %get3A_268 = arith.index_cast %get3A_267 : i32 to index
      %get3A_269 = arith.index_cast %mul3A_266 : i32 to index
      %get3A_270 = tpu.vector_load %arg4[%get3A_268, %get3A_269] {strides = array<i32>} : memref<8x256xf32, #tpu.memory_space<vmem>>, vector<16xf32>,
      %mul3A_271 = arith.constant 16 : i32
      %mul3A_272 = arith.muli %scan3A_263, %mul3A_271 : i32
      %get3A_273 = arith.constant 1 : i32
      %get3A_274 = arith.index_cast %get3A_273 : i32 to index
      %get3A_275 = arith.index_cast %mul3A_272 : i32 to index
      %get3A_276 = tpu.vector_load %arg4[%get3A_274, %get3A_275] {strides = array<i32>} : memref<8x256xf32, #tpu.memory_space<vmem>>, vector<16xf32>,
      %mul3A_277 = arith.constant 16 : i32
      %mul3A_278 = arith.muli %scan3A_263, %mul3A_277 : i32
      %get3A_279 = arith.constant 2 : i32
      %get3A_280 = arith.index_cast %get3A_279 : i32 to index
      %get3A_281 = arith.index_cast %mul3A_278 : i32 to index
      %get3A_282 = tpu.vector_load %arg4[%get3A_280, %get3A_281] {strides = array<i32>} : memref<8x256xf32, #tpu.memory_space<vmem>>, vector<16xf32>,
      %mul3A_283 = arith.constant 16 : i32
      %mul3A_284 = arith.muli %scan3A_263, %mul3A_283 : i32
      %get3A_285 = arith.constant 3 : i32
      %get3A_286 = arith.index_cast %get3A_285 : i32 to index
      %get3A_287 = arith.index_cast %mul3A_284 : i32 to index
      %get3A_288 = tpu.vector_load %arg4[%get3A_286, %get3A_287] {strides = array<i32>} : memref<8x256xf32, #tpu.memory_space<vmem>>, vector<16xf32>,
      %mul3A_289 = arith.constant 16 : i32
      %mul3A_290 = arith.muli %scan3A_263, %mul3A_289 : i32
      %get3A_291 = arith.constant 4 : i32
      %get3A_292 = arith.index_cast %get3A_291 : i32 to index
      %get3A_293 = arith.index_cast %mul3A_290 : i32 to index
      %get3A_294 = tpu.vector_load %arg4[%get3A_292, %get3A_293] {strides = array<i32>} : memref<8x256xf32, #tpu.memory_space<vmem>>, vector<16xf32>,
      %mul3A_295 = arith.constant 16 : i32
      %mul3A_296 = arith.muli %scan3A_263, %mul3A_295 : i32
      %get3A_297 = arith.constant 5 : i32
      %get3A_298 = arith.index_cast %get3A_297 : i32 to index
      %get3A_299 = arith.index_cast %mul3A_296 : i32 to index
      %get3A_300 = tpu.vector_load %arg4[%get3A_298, %get3A_299] {strides = array<i32>} : memref<8x256xf32, #tpu.memory_space<vmem>>, vector<16xf32>,
      %mul3A_301 = arith.constant 16 : i32
      %mul3A_302 = arith.muli %scan3A_263, %mul3A_301 : i32
      %get3A_303 = arith.constant 6 : i32
      %get3A_304 = arith.index_cast %get3A_303 : i32 to index
      %get3A_305 = arith.index_cast %mul3A_302 : i32 to index
      %get3A_306 = tpu.vector_load %arg4[%get3A_304, %get3A_305] {strides = array<i32>} : memref<8x256xf32, #tpu.memory_space<vmem>>, vector<16xf32>,
      %mul3A_307 = arith.constant 16 : i32
      %mul3A_308 = arith.muli %scan3A_263, %mul3A_307 : i32
      %get3A_309 = arith.constant 7 : i32
      %get3A_310 = arith.index_cast %get3A_309 : i32 to index
      %get3A_311 = arith.index_cast %mul3A_308 : i32 to index
      %get3A_312 = tpu.vector_load %arg4[%get3A_310, %get3A_311] {strides = array<i32>} : memref<8x256xf32, #tpu.memory_space<vmem>>, vector<16xf32>,
      %max3A = arith.maximumf %get3A_270, %get3A_276 : vector<16xf32>
      %max3A_313 = arith.maximumf %max3A, %get3A_282 : vector<16xf32>
      %max3A_314 = arith.maximumf %max3A_313, %get3A_288 : vector<16xf32>
      %max3A_315 = arith.maximumf %max3A_314, %get3A_294 : vector<16xf32>
      %max3A_316 = arith.maximumf %max3A_315, %get3A_300 : vector<16xf32>
      %max3A_317 = arith.maximumf %max3A_316, %get3A_306 : vector<16xf32>
      %max3A_318 = arith.maximumf %max3A_317, %get3A_312 : vector<16xf32>
      %broadcast_in_dim3A_319 = arith.constant 7 : i32
      %broadcast_in_dim3A_320 = vector.broadcast %broadcast_in_dim3A_319 : i32 to vector<16xi32>
      %eq3A_321 = arith.cmpf oeq, %get3A_306, %max3A_318 : vector<16xf32>
      %broadcast_in_dim3A_322 = arith.constant 6 : i32
      %broadcast_in_dim3A_323 = vector.broadcast %broadcast_in_dim3A_322 : i32 to vector<16xi32>
      %select_n3A_324 = arith.select %eq3A_321, %broadcast_in_dim3A_323, %broadcast_in_dim3A_320 : vector<16xi1>, vector<16xi32>
      %eq3A_325 = arith.cmpf oeq, %get3A_300, %max3A_318 : vector<16xf32>
      %broadcast_in_dim3A_326 = arith.constant 5 : i32
      %broadcast_in_dim3A_327 = vector.broadcast %broadcast_in_dim3A_326 : i32 to vector<16xi32>
      %select_n3A_328 = arith.select %eq3A_325, %broadcast_in_dim3A_327, %select_n3A_324 : vector<16xi1>, vector<16xi32>
      %eq3A_329 = arith.cmpf oeq, %get3A_294, %max3A_318 : vector<16xf32>
      %broadcast_in_dim3A_330 = arith.constant 4 : i32
      %broadcast_in_dim3A_331 = vector.broadcast %broadcast_in_dim3A_330 : i32 to vector<16xi32>
      %select_n3A_332 = arith.select %eq3A_329, %broadcast_in_dim3A_331, %select_n3A_328 : vector<16xi1>, vector<16xi32>
      %eq3A_333 = arith.cmpf oeq, %get3A_288, %max3A_318 : vector<16xf32>
      %broadcast_in_dim3A_334 = arith.constant 3 : i32
      %broadcast_in_dim3A_335 = vector.broadcast %broadcast_in_dim3A_334 : i32 to vector<16xi32>
      %select_n3A_336 = arith.select %eq3A_333, %broadcast_in_dim3A_335, %select_n3A_332 : vector<16xi1>, vector<16xi32>
      %eq3A_337 = arith.cmpf oeq, %get3A_282, %max3A_318 : vector<16xf32>
      %broadcast_in_dim3A_338 = arith.constant 2 : i32
      %broadcast_in_dim3A_339 = vector.broadcast %broadcast_in_dim3A_338 : i32 to vector<16xi32>
      %select_n3A_340 = arith.select %eq3A_337, %broadcast_in_dim3A_339, %select_n3A_336 : vector<16xi1>, vector<16xi32>
      %eq3A_341 = arith.cmpf oeq, %get3A_276, %max3A_318 : vector<16xf32>
      %broadcast_in_dim3A_342 = arith.constant 1 : i32
      %broadcast_in_dim3A_343 = vector.broadcast %broadcast_in_dim3A_342 : i32 to vector<16xi32>
      %select_n3A_344 = arith.select %eq3A_341, %broadcast_in_dim3A_343, %select_n3A_340 : vector<16xi1>, vector<16xi32>
      %eq3A_345 = arith.cmpf oeq, %get3A_270, %max3A_318 : vector<16xf32>
      %broadcast_in_dim3A_346 = arith.constant 0 : i32
      %broadcast_in_dim3A_347 = vector.broadcast %broadcast_in_dim3A_346 : i32 to vector<16xi32>
      %select_n3A_348 = arith.select %eq3A_345, %broadcast_in_dim3A_347, %select_n3A_344 : vector<16xi1>, vector<16xi32>
      %broadcast_in_dim3A_349 = arith.constant 0 : i32
      %broadcast_in_dim3A_350 = vector.broadcast %broadcast_in_dim3A_349 : i32 to vector<16xi32>
      %eq3A_351 = arith.cmpi eq, %select_n3A_348, %broadcast_in_dim3A_350 : vector<16xi32>
      %broadcast_in_dim3A_352 = arith.constant -1.000000e+00 : f32
      %broadcast_in_dim3A_353 = vector.broadcast %broadcast_in_dim3A_352 : f32 to vector<16xf32>
      %select_n3A_354 = arith.select %eq3A_351, %broadcast_in_dim3A_353, %get3A_270 : vector<16xi1>, vector<16xf32>
      %broadcast_in_dim3A_355 = arith.constant 1 : i32
      %broadcast_in_dim3A_356 = vector.broadcast %broadcast_in_dim3A_355 : i32 to vector<16xi32>
      %eq3A_357 = arith.cmpi eq, %select_n3A_348, %broadcast_in_dim3A_356 : vector<16xi32>
      %broadcast_in_dim3A_358 = arith.constant -1.000000e+00 : f32
      %broadcast_in_dim3A_359 = vector.broadcast %broadcast_in_dim3A_358 : f32 to vector<16xf32>
      %select_n3A_360 = arith.select %eq3A_357, %broadcast_in_dim3A_359, %get3A_276 : vector<16xi1>, vector<16xf32>
      %broadcast_in_dim3A_361 = arith.constant 2 : i32
      %broadcast_in_dim3A_362 = vector.broadcast %broadcast_in_dim3A_361 : i32 to vector<16xi32>
      %eq3A_363 = arith.cmpi eq, %select_n3A_348, %broadcast_in_dim3A_362 : vector<16xi32>
      %broadcast_in_dim3A_364 = arith.constant -1.000000e+00 : f32
      %broadcast_in_dim3A_365 = vector.broadcast %broadcast_in_dim3A_364 : f32 to vector<16xf32>
      %select_n3A_366 = arith.select %eq3A_363, %broadcast_in_dim3A_365, %get3A_282 : vector<16xi1>, vector<16xf32>
      %broadcast_in_dim3A_367 = arith.constant 3 : i32
      %broadcast_in_dim3A_368 = vector.broadcast %broadcast_in_dim3A_367 : i32 to vector<16xi32>
      %eq3A_369 = arith.cmpi eq, %select_n3A_348, %broadcast_in_dim3A_368 : vector<16xi32>
      %broadcast_in_dim3A_370 = arith.constant -1.000000e+00 : f32
      %broadcast_in_dim3A_371 = vector.broadcast %broadcast_in_dim3A_370 : f32 to vector<16xf32>
      %select_n3A_372 = arith.select %eq3A_369, %broadcast_in_dim3A_371, %get3A_288 : vector<16xi1>, vector<16xf32>
      %broadcast_in_dim3A_373 = arith.constant 4 : i32
      %broadcast_in_dim3A_374 = vector.broadcast %broadcast_in_dim3A_373 : i32 to vector<16xi32>
      %eq3A_375 = arith.cmpi eq, %select_n3A_348, %broadcast_in_dim3A_374 : vector<16xi32>
      %broadcast_in_dim3A_376 = arith.constant -1.000000e+00 : f32
      %broadcast_in_dim3A_377 = vector.broadcast %broadcast_in_dim3A_376 : f32 to vector<16xf32>
      %select_n3A_378 = arith.select %eq3A_375, %broadcast_in_dim3A_377, %get3A_294 : vector<16xi1>, vector<16xf32>
      %broadcast_in_dim3A_379 = arith.constant 5 : i32
      %broadcast_in_dim3A_380 = vector.broadcast %broadcast_in_dim3A_379 : i32 to vector<16xi32>
      %eq3A_381 = arith.cmpi eq, %select_n3A_348, %broadcast_in_dim3A_380 : vector<16xi32>
      %broadcast_in_dim3A_382 = arith.constant -1.000000e+00 : f32
      %broadcast_in_dim3A_383 = vector.broadcast %broadcast_in_dim3A_382 : f32 to vector<16xf32>
      %select_n3A_384 = arith.select %eq3A_381, %broadcast_in_dim3A_383, %get3A_300 : vector<16xi1>, vector<16xf32>
      %broadcast_in_dim3A_385 = arith.constant 6 : i32
      %broadcast_in_dim3A_386 = vector.broadcast %broadcast_in_dim3A_385 : i32 to vector<16xi32>
      %eq3A_387 = arith.cmpi eq, %select_n3A_348, %broadcast_in_dim3A_386 : vector<16xi32>
      %broadcast_in_dim3A_388 = arith.constant -1.000000e+00 : f32
      %broadcast_in_dim3A_389 = vector.broadcast %broadcast_in_dim3A_388 : f32 to vector<16xf32>
      %select_n3A_390 = arith.select %eq3A_387, %broadcast_in_dim3A_389, %get3A_306 : vector<16xi1>, vector<16xf32>
      %broadcast_in_dim3A_391 = arith.constant 7 : i32
      %broadcast_in_dim3A_392 = vector.broadcast %broadcast_in_dim3A_391 : i32 to vector<16xi32>
      %eq3A_393 = arith.cmpi eq, %select_n3A_348, %broadcast_in_dim3A_392 : vector<16xi32>
      %broadcast_in_dim3A_394 = arith.constant -1.000000e+00 : f32
      %broadcast_in_dim3A_395 = vector.broadcast %broadcast_in_dim3A_394 : f32 to vector<16xf32>
      %select_n3A_396 = arith.select %eq3A_393, %broadcast_in_dim3A_395, %get3A_312 : vector<16xi1>, vector<16xf32>
      %max3A_397 = arith.maximumf %select_n3A_354, %select_n3A_360 : vector<16xf32>
      %max3A_398 = arith.maximumf %max3A_397, %select_n3A_366 : vector<16xf32>
      %max3A_399 = arith.maximumf %max3A_398, %select_n3A_372 : vector<16xf32>
      %max3A_400 = arith.maximumf %max3A_399, %select_n3A_378 : vector<16xf32>
      %max3A_401 = arith.maximumf %max3A_400, %select_n3A_384 : vector<16xf32>
      %max3A_402 = arith.maximumf %max3A_401, %select_n3A_390 : vector<16xf32>
      %max3A_403 = arith.maximumf %max3A_402, %select_n3A_396 : vector<16xf32>
      %broadcast_in_dim3A_404 = arith.constant 7 : i32
      %broadcast_in_dim3A_405 = vector.broadcast %broadcast_in_dim3A_404 : i32 to vector<16xi32>
      %eq3A_406 = arith.cmpf oeq, %select_n3A_390, %max3A_403 : vector<16xf32>
      %broadcast_in_dim3A_407 = arith.constant 6 : i32
      %broadcast_in_dim3A_408 = vector.broadcast %broadcast_in_dim3A_407 : i32 to vector<16xi32>
      %select_n3A_409 = arith.select %eq3A_406, %broadcast_in_dim3A_408, %broadcast_in_dim3A_405 : vector<16xi1>, vector<16xi32>
      %eq3A_410 = arith.cmpf oeq, %select_n3A_384, %max3A_403 : vector<16xf32>
      %broadcast_in_dim3A_411 = arith.constant 5 : i32
      %broadcast_in_dim3A_412 = vector.broadcast %broadcast_in_dim3A_411 : i32 to vector<16xi32>
      %select_n3A_413 = arith.select %eq3A_410, %broadcast_in_dim3A_412, %select_n3A_409 : vector<16xi1>, vector<16xi32>
      %eq3A_414 = arith.cmpf oeq, %select_n3A_378, %max3A_403 : vector<16xf32>
      %broadcast_in_dim3A_415 = arith.constant 4 : i32
      %broadcast_in_dim3A_416 = vector.broadcast %broadcast_in_dim3A_415 : i32 to vector<16xi32>
      %select_n3A_417 = arith.select %eq3A_414, %broadcast_in_dim3A_416, %select_n3A_413 : vector<16xi1>, vector<16xi32>
      %eq3A_418 = arith.cmpf oeq, %select_n3A_372, %max3A_403 : vector<16xf32>
      %broadcast_in_dim3A_419 = arith.constant 3 : i32
      %broadcast_in_dim3A_420 = vector.broadcast %broadcast_in_dim3A_419 : i32 to vector<16xi32>
      %select_n3A_421 = arith.select %eq3A_418, %broadcast_in_dim3A_420, %select_n3A_417 : vector<16xi1>, vector<16xi32>
      %eq3A_422 = arith.cmpf oeq, %select_n3A_366, %max3A_403 : vector<16xf32>
      %broadcast_in_dim3A_423 = arith.constant 2 : i32
      %broadcast_in_dim3A_424 = vector.broadcast %broadcast_in_dim3A_423 : i32 to vector<16xi32>
      %select_n3A_425 = arith.select %eq3A_422, %broadcast_in_dim3A_424, %select_n3A_421 : vector<16xi1>, vector<16xi32>
      %eq3A_426 = arith.cmpf oeq, %select_n3A_360, %max3A_403 : vector<16xf32>
      %broadcast_in_dim3A_427 = arith.constant 1 : i32
      %broadcast_in_dim3A_428 = vector.broadcast %broadcast_in_dim3A_427 : i32 to vector<16xi32>
      %select_n3A_429 = arith.select %eq3A_426, %broadcast_in_dim3A_428, %select_n3A_425 : vector<16xi1>, vector<16xi32>
      %eq3A_430 = arith.cmpf oeq, %select_n3A_354, %max3A_403 : vector<16xf32>
      %broadcast_in_dim3A_431 = arith.constant 0 : i32
      %broadcast_in_dim3A_432 = vector.broadcast %broadcast_in_dim3A_431 : i32 to vector<16xi32>
      %select_n3A_433 = arith.select %eq3A_430, %broadcast_in_dim3A_432, %select_n3A_429 : vector<16xi1>, vector<16xi32>
      %broadcast_in_dim3A_434 = arith.constant 0 : i32
      %broadcast_in_dim3A_435 = vector.broadcast %broadcast_in_dim3A_434 : i32 to vector<16xi32>
      %eq3A_436 = arith.cmpi eq, %select_n3A_348, %broadcast_in_dim3A_435 : vector<16xi32>
      %broadcast_in_dim3A_437 = arith.constant 0 : i32
      %broadcast_in_dim3A_438 = vector.broadcast %broadcast_in_dim3A_437 : i32 to vector<16xi32>
      %eq3A_439 = arith.cmpi eq, %select_n3A_433, %broadcast_in_dim3A_438 : vector<16xi32>
      %or3A = arith.ori %eq3A_436, %eq3A_439 : vector<16xi1>
      %convert_element_type3A = arith.extui %or3A : vector<16xi1> to vector<16xi32>
      %convert_element_type3A_440 = arith.sitofp %convert_element_type3A : vector<16xi32> to vector<16xf32>
      %broadcast_in_dim3A_441 = arith.constant 0 : i32
      %broadcast_in_dim3A_442 = vector.broadcast %broadcast_in_dim3A_441 : i32 to vector<16xi32>
      %eq3A_443 = arith.cmpi eq, %iota3A, %broadcast_in_dim3A_442 : vector<16xi32>
      %reduce_sum3A_444 = arith.constant true
      %reduce_sum3A_445 = vector.broadcast %reduce_sum3A_444 : i1 to vector<16xi1>
      %reduce_sum3A_446 = tpu.scan <sum>, %convert_element_type3A_440 masked %reduce_sum3A_445 : vector<16xf32>, vector<16xi1> -> vector<16xf32>
      %reduce_sum3A_447 = vector.extract %reduce_sum3A_446[15] : f32 from vector<16xf32>
      %broadcast_in_dim3A_448 = vector.broadcast %reduce_sum3A_447 : f32 to vector<16xf32>
      %select_n3A_449 = arith.select %eq3A_443, %broadcast_in_dim3A_448, %broadcast_in_dim3A_1 : vector<16xi1>, vector<16xf32>
      %add3A_450 = arith.addf %scan3A_264, %select_n3A_449 : vector<16xf32>
      %broadcast_in_dim3A_451 = arith.constant 1 : i32
      %broadcast_in_dim3A_452 = vector.broadcast %broadcast_in_dim3A_451 : i32 to vector<16xi32>
      %eq3A_453 = arith.cmpi eq, %select_n3A_348, %broadcast_in_dim3A_452 : vector<16xi32>
      %broadcast_in_dim3A_454 = arith.constant 1 : i32
      %broadcast_in_dim3A_455 = vector.broadcast %broadcast_in_dim3A_454 : i32 to vector<16xi32>
      %eq3A_456 = arith.cmpi eq, %select_n3A_433, %broadcast_in_dim3A_455 : vector<16xi32>
      %or3A_457 = arith.ori %eq3A_453, %eq3A_456 : vector<16xi1>
      %convert_element_type3A_458 = arith.extui %or3A_457 : vector<16xi1> to vector<16xi32>
      %convert_element_type3A_459 = arith.sitofp %convert_element_type3A_458 : vector<16xi32> to vector<16xf32>
      %broadcast_in_dim3A_460 = arith.constant 1 : i32
      %broadcast_in_dim3A_461 = vector.broadcast %broadcast_in_dim3A_460 : i32 to vector<16xi32>
      %eq3A_462 = arith.cmpi eq, %iota3A, %broadcast_in_dim3A_461 : vector<16xi32>
      %reduce_sum3A_463 = arith.constant true
      %reduce_sum3A_464 = vector.broadcast %reduce_sum3A_463 : i1 to vector<16xi1>
      %reduce_sum3A_465 = tpu.scan <sum>, %convert_element_type3A_459 masked %reduce_sum3A_464 : vector<16xf32>, vector<16xi1> -> vector<16xf32>
      %reduce_sum3A_466 = vector.extract %reduce_sum3A_465[15] : f32 from vector<16xf32>
      %broadcast_in_dim3A_467 = vector.broadcast %reduce_sum3A_466 : f32 to vector<16xf32>
      %select_n3A_468 = arith.select %eq3A_462, %broadcast_in_dim3A_467, %broadcast_in_dim3A_1 : vector<16xi1>, vector<16xf32>
      %add3A_469 = arith.addf %add3A_450, %select_n3A_468 : vector<16xf32>
      %broadcast_in_dim3A_470 = arith.constant 2 : i32
      %broadcast_in_dim3A_471 = vector.broadcast %broadcast_in_dim3A_470 : i32 to vector<16xi32>
      %eq3A_472 = arith.cmpi eq, %select_n3A_348, %broadcast_in_dim3A_471 : vector<16xi32>
      %broadcast_in_dim3A_473 = arith.constant 2 : i32
      %broadcast_in_dim3A_474 = vector.broadcast %broadcast_in_dim3A_473 : i32 to vector<16xi32>
      %eq3A_475 = arith.cmpi eq, %select_n3A_433, %broadcast_in_dim3A_474 : vector<16xi32>
      %or3A_476 = arith.ori %eq3A_472, %eq3A_475 : vector<16xi1>
      %convert_element_type3A_477 = arith.extui %or3A_476 : vector<16xi1> to vector<16xi32>
      %convert_element_type3A_478 = arith.sitofp %convert_element_type3A_477 : vector<16xi32> to vector<16xf32>
      %broadcast_in_dim3A_479 = arith.constant 2 : i32
      %broadcast_in_dim3A_480 = vector.broadcast %broadcast_in_dim3A_479 : i32 to vector<16xi32>
      %eq3A_481 = arith.cmpi eq, %iota3A, %broadcast_in_dim3A_480 : vector<16xi32>
      %reduce_sum3A_482 = arith.constant true
      %reduce_sum3A_483 = vector.broadcast %reduce_sum3A_482 : i1 to vector<16xi1>
      %reduce_sum3A_484 = tpu.scan <sum>, %convert_element_type3A_478 masked %reduce_sum3A_483 : vector<16xf32>, vector<16xi1> -> vector<16xf32>
      %reduce_sum3A_485 = vector.extract %reduce_sum3A_484[15] : f32 from vector<16xf32>
      %broadcast_in_dim3A_486 = vector.broadcast %reduce_sum3A_485 : f32 to vector<16xf32>
      %select_n3A_487 = arith.select %eq3A_481, %broadcast_in_dim3A_486, %broadcast_in_dim3A_1 : vector<16xi1>, vector<16xf32>
      %add3A_488 = arith.addf %add3A_469, %select_n3A_487 : vector<16xf32>
      %broadcast_in_dim3A_489 = arith.constant 3 : i32
      %broadcast_in_dim3A_490 = vector.broadcast %broadcast_in_dim3A_489 : i32 to vector<16xi32>
      %eq3A_491 = arith.cmpi eq, %select_n3A_348, %broadcast_in_dim3A_490 : vector<16xi32>
      %broadcast_in_dim3A_492 = arith.constant 3 : i32
      %broadcast_in_dim3A_493 = vector.broadcast %broadcast_in_dim3A_492 : i32 to vector<16xi32>
      %eq3A_494 = arith.cmpi eq, %select_n3A_433, %broadcast_in_dim3A_493 : vector<16xi32>
      %or3A_495 = arith.ori %eq3A_491, %eq3A_494 : vector<16xi1>
      %convert_element_type3A_496 = arith.extui %or3A_495 : vector<16xi1> to vector<16xi32>
      %convert_element_type3A_497 = arith.sitofp %convert_element_type3A_496 : vector<16xi32> to vector<16xf32>
      %broadcast_in_dim3A_498 = arith.constant 3 : i32
      %broadcast_in_dim3A_499 = vector.broadcast %broadcast_in_dim3A_498 : i32 to vector<16xi32>
      %eq3A_500 = arith.cmpi eq, %iota3A, %broadcast_in_dim3A_499 : vector<16xi32>
      %reduce_sum3A_501 = arith.constant true
      %reduce_sum3A_502 = vector.broadcast %reduce_sum3A_501 : i1 to vector<16xi1>
      %reduce_sum3A_503 = tpu.scan <sum>, %convert_element_type3A_497 masked %reduce_sum3A_502 : vector<16xf32>, vector<16xi1> -> vector<16xf32>
      %reduce_sum3A_504 = vector.extract %reduce_sum3A_503[15] : f32 from vector<16xf32>
      %broadcast_in_dim3A_505 = vector.broadcast %reduce_sum3A_504 : f32 to vector<16xf32>
      %select_n3A_506 = arith.select %eq3A_500, %broadcast_in_dim3A_505, %broadcast_in_dim3A_1 : vector<16xi1>, vector<16xf32>
      %add3A_507 = arith.addf %add3A_488, %select_n3A_506 : vector<16xf32>
      %broadcast_in_dim3A_508 = arith.constant 4 : i32
      %broadcast_in_dim3A_509 = vector.broadcast %broadcast_in_dim3A_508 : i32 to vector<16xi32>
      %eq3A_510 = arith.cmpi eq, %select_n3A_348, %broadcast_in_dim3A_509 : vector<16xi32>
      %broadcast_in_dim3A_511 = arith.constant 4 : i32
      %broadcast_in_dim3A_512 = vector.broadcast %broadcast_in_dim3A_511 : i32 to vector<16xi32>
      %eq3A_513 = arith.cmpi eq, %select_n3A_433, %broadcast_in_dim3A_512 : vector<16xi32>
      %or3A_514 = arith.ori %eq3A_510, %eq3A_513 : vector<16xi1>
      %convert_element_type3A_515 = arith.extui %or3A_514 : vector<16xi1> to vector<16xi32>
      %convert_element_type3A_516 = arith.sitofp %convert_element_type3A_515 : vector<16xi32> to vector<16xf32>
      %broadcast_in_dim3A_517 = arith.constant 4 : i32
      %broadcast_in_dim3A_518 = vector.broadcast %broadcast_in_dim3A_517 : i32 to vector<16xi32>
      %eq3A_519 = arith.cmpi eq, %iota3A, %broadcast_in_dim3A_518 : vector<16xi32>
      %reduce_sum3A_520 = arith.constant true
      %reduce_sum3A_521 = vector.broadcast %reduce_sum3A_520 : i1 to vector<16xi1>
      %reduce_sum3A_522 = tpu.scan <sum>, %convert_element_type3A_516 masked %reduce_sum3A_521 : vector<16xf32>, vector<16xi1> -> vector<16xf32>
      %reduce_sum3A_523 = vector.extract %reduce_sum3A_522[15] : f32 from vector<16xf32>
      %broadcast_in_dim3A_524 = vector.broadcast %reduce_sum3A_523 : f32 to vector<16xf32>
      %select_n3A_525 = arith.select %eq3A_519, %broadcast_in_dim3A_524, %broadcast_in_dim3A_1 : vector<16xi1>, vector<16xf32>
      %add3A_526 = arith.addf %add3A_507, %select_n3A_525 : vector<16xf32>
      %broadcast_in_dim3A_527 = arith.constant 5 : i32
      %broadcast_in_dim3A_528 = vector.broadcast %broadcast_in_dim3A_527 : i32 to vector<16xi32>
      %eq3A_529 = arith.cmpi eq, %select_n3A_348, %broadcast_in_dim3A_528 : vector<16xi32>
      %broadcast_in_dim3A_530 = arith.constant 5 : i32
      %broadcast_in_dim3A_531 = vector.broadcast %broadcast_in_dim3A_530 : i32 to vector<16xi32>
      %eq3A_532 = arith.cmpi eq, %select_n3A_433, %broadcast_in_dim3A_531 : vector<16xi32>
      %or3A_533 = arith.ori %eq3A_529, %eq3A_532 : vector<16xi1>
      %convert_element_type3A_534 = arith.extui %or3A_533 : vector<16xi1> to vector<16xi32>
      %convert_element_type3A_535 = arith.sitofp %convert_element_type3A_534 : vector<16xi32> to vector<16xf32>
      %broadcast_in_dim3A_536 = arith.constant 5 : i32
      %broadcast_in_dim3A_537 = vector.broadcast %broadcast_in_dim3A_536 : i32 to vector<16xi32>
      %eq3A_538 = arith.cmpi eq, %iota3A, %broadcast_in_dim3A_537 : vector<16xi32>
      %reduce_sum3A_539 = arith.constant true
      %reduce_sum3A_540 = vector.broadcast %reduce_sum3A_539 : i1 to vector<16xi1>
      %reduce_sum3A_541 = tpu.scan <sum>, %convert_element_type3A_535 masked %reduce_sum3A_540 : vector<16xf32>, vector<16xi1> -> vector<16xf32>
      %reduce_sum3A_542 = vector.extract %reduce_sum3A_541[15] : f32 from vector<16xf32>
      %broadcast_in_dim3A_543 = vector.broadcast %reduce_sum3A_542 : f32 to vector<16xf32>
      %select_n3A_544 = arith.select %eq3A_538, %broadcast_in_dim3A_543, %broadcast_in_dim3A_1 : vector<16xi1>, vector<16xf32>
      %add3A_545 = arith.addf %add3A_526, %select_n3A_544 : vector<16xf32>
      %broadcast_in_dim3A_546 = arith.constant 6 : i32
      %broadcast_in_dim3A_547 = vector.broadcast %broadcast_in_dim3A_546 : i32 to vector<16xi32>
      %eq3A_548 = arith.cmpi eq, %select_n3A_348, %broadcast_in_dim3A_547 : vector<16xi32>
      %broadcast_in_dim3A_549 = arith.constant 6 : i32
      %broadcast_in_dim3A_550 = vector.broadcast %broadcast_in_dim3A_549 : i32 to vector<16xi32>
      %eq3A_551 = arith.cmpi eq, %select_n3A_433, %broadcast_in_dim3A_550 : vector<16xi32>
      %or3A_552 = arith.ori %eq3A_548, %eq3A_551 : vector<16xi1>
      %convert_element_type3A_553 = arith.extui %or3A_552 : vector<16xi1> to vector<16xi32>
      %convert_element_type3A_554 = arith.sitofp %convert_element_type3A_553 : vector<16xi32> to vector<16xf32>
      %broadcast_in_dim3A_555 = arith.constant 6 : i32
      %broadcast_in_dim3A_556 = vector.broadcast %broadcast_in_dim3A_555 : i32 to vector<16xi32>
      %eq3A_557 = arith.cmpi eq, %iota3A, %broadcast_in_dim3A_556 : vector<16xi32>
      %reduce_sum3A_558 = arith.constant true
      %reduce_sum3A_559 = vector.broadcast %reduce_sum3A_558 : i1 to vector<16xi1>
      %reduce_sum3A_560 = tpu.scan <sum>, %convert_element_type3A_554 masked %reduce_sum3A_559 : vector<16xf32>, vector<16xi1> -> vector<16xf32>
      %reduce_sum3A_561 = vector.extract %reduce_sum3A_560[15] : f32 from vector<16xf32>
      %broadcast_in_dim3A_562 = vector.broadcast %reduce_sum3A_561 : f32 to vector<16xf32>
      %select_n3A_563 = arith.select %eq3A_557, %broadcast_in_dim3A_562, %broadcast_in_dim3A_1 : vector<16xi1>, vector<16xf32>
      %add3A_564 = arith.addf %add3A_545, %select_n3A_563 : vector<16xf32>
      %broadcast_in_dim3A_565 = arith.constant 7 : i32
      %broadcast_in_dim3A_566 = vector.broadcast %broadcast_in_dim3A_565 : i32 to vector<16xi32>
      %eq3A_567 = arith.cmpi eq, %select_n3A_348, %broadcast_in_dim3A_566 : vector<16xi32>
      %broadcast_in_dim3A_568 = arith.constant 7 : i32
      %broadcast_in_dim3A_569 = vector.broadcast %broadcast_in_dim3A_568 : i32 to vector<16xi32>
      %eq3A_570 = arith.cmpi eq, %select_n3A_433, %broadcast_in_dim3A_569 : vector<16xi32>
      %or3A_571 = arith.ori %eq3A_567, %eq3A_570 : vector<16xi1>
      %convert_element_type3A_572 = arith.extui %or3A_571 : vector<16xi1> to vector<16xi32>
      %convert_element_type3A_573 = arith.sitofp %convert_element_type3A_572 : vector<16xi32> to vector<16xf32>
      %broadcast_in_dim3A_574 = arith.constant 7 : i32
      %broadcast_in_dim3A_575 = vector.broadcast %broadcast_in_dim3A_574 : i32 to vector<16xi32>
      %eq3A_576 = arith.cmpi eq, %iota3A, %broadcast_in_dim3A_575 : vector<16xi32>
      %reduce_sum3A_577 = arith.constant true
      %reduce_sum3A_578 = vector.broadcast %reduce_sum3A_577 : i1 to vector<16xi1>
      %reduce_sum3A_579 = tpu.scan <sum>, %convert_element_type3A_573 masked %reduce_sum3A_578 : vector<16xf32>, vector<16xi1> -> vector<16xf32>
      %reduce_sum3A_580 = vector.extract %reduce_sum3A_579[15] : f32 from vector<16xf32>
      %broadcast_in_dim3A_581 = vector.broadcast %reduce_sum3A_580 : f32 to vector<16xf32>
      %select_n3A_582 = arith.select %eq3A_576, %broadcast_in_dim3A_581, %broadcast_in_dim3A_1 : vector<16xi1>, vector<16xf32>
      %add3A_583 = arith.addf %add3A_564, %select_n3A_582 : vector<16xf32>
      scf.yield %add3A_583 : vector<16xf32>
    }
    %scan3A_6 = arith.constant 16 : i32
    %swap3A = arith.constant 0 : index
    %swap3A_7 = tpu.vector_load %arg6[%swap3A] {strides = array<i32>} : memref<16xf32, #tpu.memory_space<vmem>>, vector<16xf32>,
    tpu.vector_store %arg6[%swap3A], %scan3A_5 {strides = array<i32>} : memref<16xf32, #tpu.memory_space<vmem>>, vector<16xf32>,
    "tpu.region"() ({
      %run_scoped3A = tpu.sem_alloc : memref<!tpu.dma_semaphore, #tpu.memory_space<semaphore_mem>>
      %dma_start3A = arith.constant 0 : i32
      %dma_start3A_263 = tpu.memref_slice %arg8[%arg1, %dma_start3A] : memref<16x16xf32, #tpu.memory_space<vmem_shared>> -> memref<1x16xf32, #tpu.memory_space<vmem_shared>>
      %dma_start3A_264 = tpu.memref_squeeze %dma_start3A_263 : memref<1x16xf32, #tpu.memory_space<vmem_shared>> -> memref<16xf32, #tpu.memory_space<vmem_shared>>
      %dma_start3A_265 = arith.constant 0 : i32
      %dma_start3A_266 = tpu.memref_slice %arg8[%arg1, %dma_start3A_265] : memref<16x16xf32, #tpu.memory_space<vmem_shared>> -> memref<1x16xf32, #tpu.memory_space<vmem_shared>>
      %dma_start3A_267 = tpu.memref_squeeze %dma_start3A_266 : memref<1x16xf32, #tpu.memory_space<vmem_shared>> -> memref<16xf32, #tpu.memory_space<vmem_shared>>
      tpu.enqueue_dma source(%arg6 : memref<16xf32, #tpu.memory_space<vmem>>) target(%dma_start3A_267 : memref<16xf32, #tpu.memory_space<vmem_shared>>) target_semaphore(%run_scoped3A : memref<!tpu.dma_semaphore, #tpu.memory_space<semaphore_mem>>)
      %dma_wait3A = arith.constant 0 : i32
      %dma_wait3A_268 = tpu.memref_slice %arg8[%arg1, %dma_wait3A] : memref<16x16xf32, #tpu.memory_space<vmem_shared>> -> memref<1x16xf32, #tpu.memory_space<vmem_shared>>
      %dma_wait3A_269 = tpu.memref_squeeze %dma_wait3A_268 : memref<1x16xf32, #tpu.memory_space<vmem_shared>> -> memref<16xf32, #tpu.memory_space<vmem_shared>>
      %dma_wait3A_270 = arith.constant 0 : i32
      %dma_wait3A_271 = tpu.memref_slice %arg8[%arg1, %dma_wait3A_270] : memref<16x16xf32, #tpu.memory_space<vmem_shared>> -> memref<1x16xf32, #tpu.memory_space<vmem_shared>>
      %dma_wait3A_272 = tpu.memref_squeeze %dma_wait3A_271 : memref<1x16xf32, #tpu.memory_space<vmem_shared>> -> memref<16xf32, #tpu.memory_space<vmem_shared>>
      tpu.wait_dma2 semaphore(%run_scoped3A : memref<!tpu.dma_semaphore, #tpu.memory_space<semaphore_mem>>) src(%arg6 : memref<16xf32, #tpu.memory_space<vmem>>) dst(%dma_wait3A_272 : memref<16xf32, #tpu.memory_space<vmem_shared>>)
      tpu.yield
    }) : () -> ()
    %barrier3A = arith.constant 0 : index
    tpu.barrier barrier_id(%barrier3A)
    "tpu.region"() ({
      %run_scoped3A = tpu.sem_alloc : memref<!tpu.dma_semaphore, #tpu.memory_space<semaphore_mem>>
      tpu.enqueue_dma source(%arg8 : memref<16x16xf32, #tpu.memory_space<vmem_shared>>) target(%arg7 : memref<16x16xf32, #tpu.memory_space<vmem>>) target_semaphore(%run_scoped3A : memref<!tpu.dma_semaphore, #tpu.memory_space<semaphore_mem>>)
      tpu.wait_dma2 semaphore(%run_scoped3A : memref<!tpu.dma_semaphore, #tpu.memory_space<semaphore_mem>>) src(%arg8 : memref<16x16xf32, #tpu.memory_space<vmem_shared>>) dst(%arg7 : memref<16x16xf32, #tpu.memory_space<vmem>>)
      tpu.yield
    }) : () -> ()
    %gt3A = arith.constant 0 : i32
    %gt3A_8 = arith.cmpi sgt, %arg1, %gt3A : i32
    %jit3A = arith.constant 1.000000e+00 : f32
    %jit3A_9 = arith.constant 0.000000e+00 : f32
    %select_n3A = arith.select %gt3A_8, %jit3A, %jit3A_9 : f32
    %get3A = arith.constant 0 : i32
    %get3A_10 = arith.index_cast %get3A : i32 to index
    %get3A_11 = arith.constant 0 : index
    %get3A_12 = tpu.vector_load %arg7[%get3A_10, %get3A_11] {strides = array<i32>} : memref<16x16xf32, #tpu.memory_space<vmem>>, vector<16xf32>,
    %broadcast_in_dim3A_13 = vector.broadcast %select_n3A : f32 to vector<16xf32>
    %mul3A_14 = arith.mulf %get3A_12, %broadcast_in_dim3A_13 : vector<16xf32>
    %add3A = arith.addf %broadcast_in_dim3A_1, %mul3A_14 : vector<16xf32>
    %gt3A_15 = arith.constant 1 : i32
    %gt3A_16 = arith.cmpi sgt, %arg1, %gt3A_15 : i32
    %jit3A_17 = arith.constant 1.000000e+00 : f32
    %jit3A_18 = arith.constant 0.000000e+00 : f32
    %select_n3A_19 = arith.select %gt3A_16, %jit3A_17, %jit3A_18 : f32
    %get3A_20 = arith.constant 1 : i32
    %get3A_21 = arith.index_cast %get3A_20 : i32 to index
    %get3A_22 = arith.constant 0 : index
    %get3A_23 = tpu.vector_load %arg7[%get3A_21, %get3A_22] {strides = array<i32>} : memref<16x16xf32, #tpu.memory_space<vmem>>, vector<16xf32>,
    %broadcast_in_dim3A_24 = vector.broadcast %select_n3A_19 : f32 to vector<16xf32>
    %mul3A_25 = arith.mulf %get3A_23, %broadcast_in_dim3A_24 : vector<16xf32>
    %add3A_26 = arith.addf %add3A, %mul3A_25 : vector<16xf32>
    %gt3A_27 = arith.constant 2 : i32
    %gt3A_28 = arith.cmpi sgt, %arg1, %gt3A_27 : i32
    %jit3A_29 = arith.constant 1.000000e+00 : f32
    %jit3A_30 = arith.constant 0.000000e+00 : f32
    %select_n3A_31 = arith.select %gt3A_28, %jit3A_29, %jit3A_30 : f32
    %get3A_32 = arith.constant 2 : i32
    %get3A_33 = arith.index_cast %get3A_32 : i32 to index
    %get3A_34 = arith.constant 0 : index
    %get3A_35 = tpu.vector_load %arg7[%get3A_33, %get3A_34] {strides = array<i32>} : memref<16x16xf32, #tpu.memory_space<vmem>>, vector<16xf32>,
    %broadcast_in_dim3A_36 = vector.broadcast %select_n3A_31 : f32 to vector<16xf32>
    %mul3A_37 = arith.mulf %get3A_35, %broadcast_in_dim3A_36 : vector<16xf32>
    %add3A_38 = arith.addf %add3A_26, %mul3A_37 : vector<16xf32>
    %gt3A_39 = arith.constant 3 : i32
    %gt3A_40 = arith.cmpi sgt, %arg1, %gt3A_39 : i32
    %jit3A_41 = arith.constant 1.000000e+00 : f32
    %jit3A_42 = arith.constant 0.000000e+00 : f32
    %select_n3A_43 = arith.select %gt3A_40, %jit3A_41, %jit3A_42 : f32
    %get3A_44 = arith.constant 3 : i32
    %get3A_45 = arith.index_cast %get3A_44 : i32 to index
    %get3A_46 = arith.constant 0 : index
    %get3A_47 = tpu.vector_load %arg7[%get3A_45, %get3A_46] {strides = array<i32>} : memref<16x16xf32, #tpu.memory_space<vmem>>, vector<16xf32>,
    %broadcast_in_dim3A_48 = vector.broadcast %select_n3A_43 : f32 to vector<16xf32>
    %mul3A_49 = arith.mulf %get3A_47, %broadcast_in_dim3A_48 : vector<16xf32>
    %add3A_50 = arith.addf %add3A_38, %mul3A_49 : vector<16xf32>
    %gt3A_51 = arith.constant 4 : i32
    %gt3A_52 = arith.cmpi sgt, %arg1, %gt3A_51 : i32
    %jit3A_53 = arith.constant 1.000000e+00 : f32
    %jit3A_54 = arith.constant 0.000000e+00 : f32
    %select_n3A_55 = arith.select %gt3A_52, %jit3A_53, %jit3A_54 : f32
    %get3A_56 = arith.constant 4 : i32
    %get3A_57 = arith.index_cast %get3A_56 : i32 to index
    %get3A_58 = arith.constant 0 : index
    %get3A_59 = tpu.vector_load %arg7[%get3A_57, %get3A_58] {strides = array<i32>} : memref<16x16xf32, #tpu.memory_space<vmem>>, vector<16xf32>,
    %broadcast_in_dim3A_60 = vector.broadcast %select_n3A_55 : f32 to vector<16xf32>
    %mul3A_61 = arith.mulf %get3A_59, %broadcast_in_dim3A_60 : vector<16xf32>
    %add3A_62 = arith.addf %add3A_50, %mul3A_61 : vector<16xf32>
    %gt3A_63 = arith.constant 5 : i32
    %gt3A_64 = arith.cmpi sgt, %arg1, %gt3A_63 : i32
    %jit3A_65 = arith.constant 1.000000e+00 : f32
    %jit3A_66 = arith.constant 0.000000e+00 : f32
    %select_n3A_67 = arith.select %gt3A_64, %jit3A_65, %jit3A_66 : f32
    %get3A_68 = arith.constant 5 : i32
    %get3A_69 = arith.index_cast %get3A_68 : i32 to index
    %get3A_70 = arith.constant 0 : index
    %get3A_71 = tpu.vector_load %arg7[%get3A_69, %get3A_70] {strides = array<i32>} : memref<16x16xf32, #tpu.memory_space<vmem>>, vector<16xf32>,
    %broadcast_in_dim3A_72 = vector.broadcast %select_n3A_67 : f32 to vector<16xf32>
    %mul3A_73 = arith.mulf %get3A_71, %broadcast_in_dim3A_72 : vector<16xf32>
    %add3A_74 = arith.addf %add3A_62, %mul3A_73 : vector<16xf32>
    %gt3A_75 = arith.constant 6 : i32
    %gt3A_76 = arith.cmpi sgt, %arg1, %gt3A_75 : i32
    %jit3A_77 = arith.constant 1.000000e+00 : f32
    %jit3A_78 = arith.constant 0.000000e+00 : f32
    %select_n3A_79 = arith.select %gt3A_76, %jit3A_77, %jit3A_78 : f32
    %get3A_80 = arith.constant 6 : i32
    %get3A_81 = arith.index_cast %get3A_80 : i32 to index
    %get3A_82 = arith.constant 0 : index
    %get3A_83 = tpu.vector_load %arg7[%get3A_81, %get3A_82] {strides = array<i32>} : memref<16x16xf32, #tpu.memory_space<vmem>>, vector<16xf32>,
    %broadcast_in_dim3A_84 = vector.broadcast %select_n3A_79 : f32 to vector<16xf32>
    %mul3A_85 = arith.mulf %get3A_83, %broadcast_in_dim3A_84 : vector<16xf32>
    %add3A_86 = arith.addf %add3A_74, %mul3A_85 : vector<16xf32>
    %gt3A_87 = arith.constant 7 : i32
    %gt3A_88 = arith.cmpi sgt, %arg1, %gt3A_87 : i32
    %jit3A_89 = arith.constant 1.000000e+00 : f32
    %jit3A_90 = arith.constant 0.000000e+00 : f32
    %select_n3A_91 = arith.select %gt3A_88, %jit3A_89, %jit3A_90 : f32
    %get3A_92 = arith.constant 7 : i32
    %get3A_93 = arith.index_cast %get3A_92 : i32 to index
    %get3A_94 = arith.constant 0 : index
    %get3A_95 = tpu.vector_load %arg7[%get3A_93, %get3A_94] {strides = array<i32>} : memref<16x16xf32, #tpu.memory_space<vmem>>, vector<16xf32>,
    %broadcast_in_dim3A_96 = vector.broadcast %select_n3A_91 : f32 to vector<16xf32>
    %mul3A_97 = arith.mulf %get3A_95, %broadcast_in_dim3A_96 : vector<16xf32>
    %add3A_98 = arith.addf %add3A_86, %mul3A_97 : vector<16xf32>
    %gt3A_99 = arith.constant 8 : i32
    %gt3A_100 = arith.cmpi sgt, %arg1, %gt3A_99 : i32
    %jit3A_101 = arith.constant 1.000000e+00 : f32
    %jit3A_102 = arith.constant 0.000000e+00 : f32
    %select_n3A_103 = arith.select %gt3A_100, %jit3A_101, %jit3A_102 : f32
    %get3A_104 = arith.constant 8 : i32
    %get3A_105 = arith.index_cast %get3A_104 : i32 to index
    %get3A_106 = arith.constant 0 : index
    %get3A_107 = tpu.vector_load %arg7[%get3A_105, %get3A_106] {strides = array<i32>} : memref<16x16xf32, #tpu.memory_space<vmem>>, vector<16xf32>,
    %broadcast_in_dim3A_108 = vector.broadcast %select_n3A_103 : f32 to vector<16xf32>
    %mul3A_109 = arith.mulf %get3A_107, %broadcast_in_dim3A_108 : vector<16xf32>
    %add3A_110 = arith.addf %add3A_98, %mul3A_109 : vector<16xf32>
    %gt3A_111 = arith.constant 9 : i32
    %gt3A_112 = arith.cmpi sgt, %arg1, %gt3A_111 : i32
    %jit3A_113 = arith.constant 1.000000e+00 : f32
    %jit3A_114 = arith.constant 0.000000e+00 : f32
    %select_n3A_115 = arith.select %gt3A_112, %jit3A_113, %jit3A_114 : f32
    %get3A_116 = arith.constant 9 : i32
    %get3A_117 = arith.index_cast %get3A_116 : i32 to index
    %get3A_118 = arith.constant 0 : index
    %get3A_119 = tpu.vector_load %arg7[%get3A_117, %get3A_118] {strides = array<i32>} : memref<16x16xf32, #tpu.memory_space<vmem>>, vector<16xf32>,
    %broadcast_in_dim3A_120 = vector.broadcast %select_n3A_115 : f32 to vector<16xf32>
    %mul3A_121 = arith.mulf %get3A_119, %broadcast_in_dim3A_120 : vector<16xf32>
    %add3A_122 = arith.addf %add3A_110, %mul3A_121 : vector<16xf32>
    %gt3A_123 = arith.constant 10 : i32
    %gt3A_124 = arith.cmpi sgt, %arg1, %gt3A_123 : i32
    %jit3A_125 = arith.constant 1.000000e+00 : f32
    %jit3A_126 = arith.constant 0.000000e+00 : f32
    %select_n3A_127 = arith.select %gt3A_124, %jit3A_125, %jit3A_126 : f32
    %get3A_128 = arith.constant 10 : i32
    %get3A_129 = arith.index_cast %get3A_128 : i32 to index
    %get3A_130 = arith.constant 0 : index
    %get3A_131 = tpu.vector_load %arg7[%get3A_129, %get3A_130] {strides = array<i32>} : memref<16x16xf32, #tpu.memory_space<vmem>>, vector<16xf32>,
    %broadcast_in_dim3A_132 = vector.broadcast %select_n3A_127 : f32 to vector<16xf32>
    %mul3A_133 = arith.mulf %get3A_131, %broadcast_in_dim3A_132 : vector<16xf32>
    %add3A_134 = arith.addf %add3A_122, %mul3A_133 : vector<16xf32>
    %gt3A_135 = arith.constant 11 : i32
    %gt3A_136 = arith.cmpi sgt, %arg1, %gt3A_135 : i32
    %jit3A_137 = arith.constant 1.000000e+00 : f32
    %jit3A_138 = arith.constant 0.000000e+00 : f32
    %select_n3A_139 = arith.select %gt3A_136, %jit3A_137, %jit3A_138 : f32
    %get3A_140 = arith.constant 11 : i32
    %get3A_141 = arith.index_cast %get3A_140 : i32 to index
    %get3A_142 = arith.constant 0 : index
    %get3A_143 = tpu.vector_load %arg7[%get3A_141, %get3A_142] {strides = array<i32>} : memref<16x16xf32, #tpu.memory_space<vmem>>, vector<16xf32>,
    %broadcast_in_dim3A_144 = vector.broadcast %select_n3A_139 : f32 to vector<16xf32>
    %mul3A_145 = arith.mulf %get3A_143, %broadcast_in_dim3A_144 : vector<16xf32>
    %add3A_146 = arith.addf %add3A_134, %mul3A_145 : vector<16xf32>
    %gt3A_147 = arith.constant 12 : i32
    %gt3A_148 = arith.cmpi sgt, %arg1, %gt3A_147 : i32
    %jit3A_149 = arith.constant 1.000000e+00 : f32
    %jit3A_150 = arith.constant 0.000000e+00 : f32
    %select_n3A_151 = arith.select %gt3A_148, %jit3A_149, %jit3A_150 : f32
    %get3A_152 = arith.constant 12 : i32
    %get3A_153 = arith.index_cast %get3A_152 : i32 to index
    %get3A_154 = arith.constant 0 : index
    %get3A_155 = tpu.vector_load %arg7[%get3A_153, %get3A_154] {strides = array<i32>} : memref<16x16xf32, #tpu.memory_space<vmem>>, vector<16xf32>,
    %broadcast_in_dim3A_156 = vector.broadcast %select_n3A_151 : f32 to vector<16xf32>
    %mul3A_157 = arith.mulf %get3A_155, %broadcast_in_dim3A_156 : vector<16xf32>
    %add3A_158 = arith.addf %add3A_146, %mul3A_157 : vector<16xf32>
    %gt3A_159 = arith.constant 13 : i32
    %gt3A_160 = arith.cmpi sgt, %arg1, %gt3A_159 : i32
    %jit3A_161 = arith.constant 1.000000e+00 : f32
    %jit3A_162 = arith.constant 0.000000e+00 : f32
    %select_n3A_163 = arith.select %gt3A_160, %jit3A_161, %jit3A_162 : f32
    %get3A_164 = arith.constant 13 : i32
    %get3A_165 = arith.index_cast %get3A_164 : i32 to index
    %get3A_166 = arith.constant 0 : index
    %get3A_167 = tpu.vector_load %arg7[%get3A_165, %get3A_166] {strides = array<i32>} : memref<16x16xf32, #tpu.memory_space<vmem>>, vector<16xf32>,
    %broadcast_in_dim3A_168 = vector.broadcast %select_n3A_163 : f32 to vector<16xf32>
    %mul3A_169 = arith.mulf %get3A_167, %broadcast_in_dim3A_168 : vector<16xf32>
    %add3A_170 = arith.addf %add3A_158, %mul3A_169 : vector<16xf32>
    %gt3A_171 = arith.constant 14 : i32
    %gt3A_172 = arith.cmpi sgt, %arg1, %gt3A_171 : i32
    %jit3A_173 = arith.constant 1.000000e+00 : f32
    %jit3A_174 = arith.constant 0.000000e+00 : f32
    %select_n3A_175 = arith.select %gt3A_172, %jit3A_173, %jit3A_174 : f32
    %get3A_176 = arith.constant 14 : i32
    %get3A_177 = arith.index_cast %get3A_176 : i32 to index
    %get3A_178 = arith.constant 0 : index
    %get3A_179 = tpu.vector_load %arg7[%get3A_177, %get3A_178] {strides = array<i32>} : memref<16x16xf32, #tpu.memory_space<vmem>>, vector<16xf32>,
    %broadcast_in_dim3A_180 = vector.broadcast %select_n3A_175 : f32 to vector<16xf32>
    %mul3A_181 = arith.mulf %get3A_179, %broadcast_in_dim3A_180 : vector<16xf32>
    %add3A_182 = arith.addf %add3A_170, %mul3A_181 : vector<16xf32>
    %gt3A_183 = arith.constant 15 : i32
    %gt3A_184 = arith.cmpi sgt, %arg1, %gt3A_183 : i32
    %jit3A_185 = arith.constant 1.000000e+00 : f32
    %jit3A_186 = arith.constant 0.000000e+00 : f32
    %select_n3A_187 = arith.select %gt3A_184, %jit3A_185, %jit3A_186 : f32
    %get3A_188 = arith.constant 15 : i32
    %get3A_189 = arith.index_cast %get3A_188 : i32 to index
    %get3A_190 = arith.constant 0 : index
    %get3A_191 = tpu.vector_load %arg7[%get3A_189, %get3A_190] {strides = array<i32>} : memref<16x16xf32, #tpu.memory_space<vmem>>, vector<16xf32>,
    %broadcast_in_dim3A_192 = vector.broadcast %select_n3A_187 : f32 to vector<16xf32>
    %mul3A_193 = arith.mulf %get3A_191, %broadcast_in_dim3A_192 : vector<16xf32>
    %add3A_194 = arith.addf %add3A_182, %mul3A_193 : vector<16xf32>
    %broadcast_in_dim3A_195 = arith.constant 0 : i32
    %broadcast_in_dim3A_196 = vector.broadcast %broadcast_in_dim3A_195 : i32 to vector<16xi32>
    %eq3A = arith.cmpi eq, %iota3A, %broadcast_in_dim3A_196 : vector<16xi32>
    %select_n3A_197 = arith.select %eq3A, %add3A_194, %broadcast_in_dim3A_1 : vector<16xi1>, vector<16xf32>
    %reduce_sum3A = arith.constant true
    %reduce_sum3A_198 = vector.broadcast %reduce_sum3A : i1 to vector<16xi1>
    %reduce_sum3A_199 = tpu.scan <sum>, %select_n3A_197 masked %reduce_sum3A_198 : vector<16xf32>, vector<16xi1> -> vector<16xf32>
    %reduce_sum3A_200 = vector.extract %reduce_sum3A_199[15] : f32 from vector<16xf32>
    %broadcast_in_dim3A_201 = arith.constant 1 : i32
    %broadcast_in_dim3A_202 = vector.broadcast %broadcast_in_dim3A_201 : i32 to vector<16xi32>
    %eq3A_203 = arith.cmpi eq, %iota3A, %broadcast_in_dim3A_202 : vector<16xi32>
    %select_n3A_204 = arith.select %eq3A_203, %add3A_194, %broadcast_in_dim3A_1 : vector<16xi1>, vector<16xf32>
    %reduce_sum3A_205 = arith.constant true
    %reduce_sum3A_206 = vector.broadcast %reduce_sum3A_205 : i1 to vector<16xi1>
    %reduce_sum3A_207 = tpu.scan <sum>, %select_n3A_204 masked %reduce_sum3A_206 : vector<16xf32>, vector<16xi1> -> vector<16xf32>
    %reduce_sum3A_208 = vector.extract %reduce_sum3A_207[15] : f32 from vector<16xf32>
    %broadcast_in_dim3A_209 = arith.constant 2 : i32
    %broadcast_in_dim3A_210 = vector.broadcast %broadcast_in_dim3A_209 : i32 to vector<16xi32>
    %eq3A_211 = arith.cmpi eq, %iota3A, %broadcast_in_dim3A_210 : vector<16xi32>
    %select_n3A_212 = arith.select %eq3A_211, %add3A_194, %broadcast_in_dim3A_1 : vector<16xi1>, vector<16xf32>
    %reduce_sum3A_213 = arith.constant true
    %reduce_sum3A_214 = vector.broadcast %reduce_sum3A_213 : i1 to vector<16xi1>
    %reduce_sum3A_215 = tpu.scan <sum>, %select_n3A_212 masked %reduce_sum3A_214 : vector<16xf32>, vector<16xi1> -> vector<16xf32>
    %reduce_sum3A_216 = vector.extract %reduce_sum3A_215[15] : f32 from vector<16xf32>
    %broadcast_in_dim3A_217 = arith.constant 3 : i32
    %broadcast_in_dim3A_218 = vector.broadcast %broadcast_in_dim3A_217 : i32 to vector<16xi32>
    %eq3A_219 = arith.cmpi eq, %iota3A, %broadcast_in_dim3A_218 : vector<16xi32>
    %select_n3A_220 = arith.select %eq3A_219, %add3A_194, %broadcast_in_dim3A_1 : vector<16xi1>, vector<16xf32>
    %reduce_sum3A_221 = arith.constant true
    %reduce_sum3A_222 = vector.broadcast %reduce_sum3A_221 : i1 to vector<16xi1>
    %reduce_sum3A_223 = tpu.scan <sum>, %select_n3A_220 masked %reduce_sum3A_222 : vector<16xf32>, vector<16xi1> -> vector<16xf32>
    %reduce_sum3A_224 = vector.extract %reduce_sum3A_223[15] : f32 from vector<16xf32>
    %broadcast_in_dim3A_225 = arith.constant 4 : i32
    %broadcast_in_dim3A_226 = vector.broadcast %broadcast_in_dim3A_225 : i32 to vector<16xi32>
    %eq3A_227 = arith.cmpi eq, %iota3A, %broadcast_in_dim3A_226 : vector<16xi32>
    %select_n3A_228 = arith.select %eq3A_227, %add3A_194, %broadcast_in_dim3A_1 : vector<16xi1>, vector<16xf32>
    %reduce_sum3A_229 = arith.constant true
    %reduce_sum3A_230 = vector.broadcast %reduce_sum3A_229 : i1 to vector<16xi1>
    %reduce_sum3A_231 = tpu.scan <sum>, %select_n3A_228 masked %reduce_sum3A_230 : vector<16xf32>, vector<16xi1> -> vector<16xf32>
    %reduce_sum3A_232 = vector.extract %reduce_sum3A_231[15] : f32 from vector<16xf32>
    %broadcast_in_dim3A_233 = arith.constant 5 : i32
    %broadcast_in_dim3A_234 = vector.broadcast %broadcast_in_dim3A_233 : i32 to vector<16xi32>
    %eq3A_235 = arith.cmpi eq, %iota3A, %broadcast_in_dim3A_234 : vector<16xi32>
    %select_n3A_236 = arith.select %eq3A_235, %add3A_194, %broadcast_in_dim3A_1 : vector<16xi1>, vector<16xf32>
    %reduce_sum3A_237 = arith.constant true
    %reduce_sum3A_238 = vector.broadcast %reduce_sum3A_237 : i1 to vector<16xi1>
    %reduce_sum3A_239 = tpu.scan <sum>, %select_n3A_236 masked %reduce_sum3A_238 : vector<16xf32>, vector<16xi1> -> vector<16xf32>
    %reduce_sum3A_240 = vector.extract %reduce_sum3A_239[15] : f32 from vector<16xf32>
    %broadcast_in_dim3A_241 = arith.constant 6 : i32
    %broadcast_in_dim3A_242 = vector.broadcast %broadcast_in_dim3A_241 : i32 to vector<16xi32>
    %eq3A_243 = arith.cmpi eq, %iota3A, %broadcast_in_dim3A_242 : vector<16xi32>
    %select_n3A_244 = arith.select %eq3A_243, %add3A_194, %broadcast_in_dim3A_1 : vector<16xi1>, vector<16xf32>
    %reduce_sum3A_245 = arith.constant true
    %reduce_sum3A_246 = vector.broadcast %reduce_sum3A_245 : i1 to vector<16xi1>
    %reduce_sum3A_247 = tpu.scan <sum>, %select_n3A_244 masked %reduce_sum3A_246 : vector<16xf32>, vector<16xi1> -> vector<16xf32>
    %reduce_sum3A_248 = vector.extract %reduce_sum3A_247[15] : f32 from vector<16xf32>
    %broadcast_in_dim3A_249 = arith.constant 7 : i32
    %broadcast_in_dim3A_250 = vector.broadcast %broadcast_in_dim3A_249 : i32 to vector<16xi32>
    %eq3A_251 = arith.cmpi eq, %iota3A, %broadcast_in_dim3A_250 : vector<16xi32>
    %select_n3A_252 = arith.select %eq3A_251, %add3A_194, %broadcast_in_dim3A_1 : vector<16xi1>, vector<16xf32>
    %reduce_sum3A_253 = arith.constant true
    %reduce_sum3A_254 = vector.broadcast %reduce_sum3A_253 : i1 to vector<16xi1>
    %reduce_sum3A_255 = tpu.scan <sum>, %select_n3A_252 masked %reduce_sum3A_254 : vector<16xf32>, vector<16xi1> -> vector<16xf32>
    %reduce_sum3A_256 = vector.extract %reduce_sum3A_255[15] : f32 from vector<16xf32>
    %scan3A_257 = arith.constant 0 : i32
    %scan3A_258 = arith.constant 16 : i32
    %scan3A_259 = arith.addi %scan3A_257, %scan3A_258 : i32
    %scan3A_260 = arith.constant 1 : i32
    %scan3A_261:8 = scf.for %scan3A_263 = %scan3A_257 to %scan3A_259 step %scan3A_260 iter_args(%scan3A_264 = %reduce_sum3A_200, %scan3A_265 = %reduce_sum3A_208, %scan3A_266 = %reduce_sum3A_216, %scan3A_267 = %reduce_sum3A_224, %scan3A_268 = %reduce_sum3A_232, %scan3A_269 = %reduce_sum3A_240, %scan3A_270 = %reduce_sum3A_248, %scan3A_271 = %reduce_sum3A_256) -> (f32, f32, f32, f32, f32, f32, f32, f32)  : i32 {
      %mul3A_272 = arith.constant 16 : i32
      %mul3A_273 = arith.muli %scan3A_263, %mul3A_272 : i32
      %get3A_274 = arith.constant 0 : i32
      %get3A_275 = arith.index_cast %get3A_274 : i32 to index
      %get3A_276 = arith.index_cast %mul3A_273 : i32 to index
      %get3A_277 = tpu.vector_load %arg4[%get3A_275, %get3A_276] {strides = array<i32>} : memref<8x256xf32, #tpu.memory_space<vmem>>, vector<16xf32>,
      %mul3A_278 = arith.constant 16 : i32
      %mul3A_279 = arith.muli %scan3A_263, %mul3A_278 : i32
      %get3A_280 = arith.constant 1 : i32
      %get3A_281 = arith.index_cast %get3A_280 : i32 to index
      %get3A_282 = arith.index_cast %mul3A_279 : i32 to index
      %get3A_283 = tpu.vector_load %arg4[%get3A_281, %get3A_282] {strides = array<i32>} : memref<8x256xf32, #tpu.memory_space<vmem>>, vector<16xf32>,
      %mul3A_284 = arith.constant 16 : i32
      %mul3A_285 = arith.muli %scan3A_263, %mul3A_284 : i32
      %get3A_286 = arith.constant 2 : i32
      %get3A_287 = arith.index_cast %get3A_286 : i32 to index
      %get3A_288 = arith.index_cast %mul3A_285 : i32 to index
      %get3A_289 = tpu.vector_load %arg4[%get3A_287, %get3A_288] {strides = array<i32>} : memref<8x256xf32, #tpu.memory_space<vmem>>, vector<16xf32>,
      %mul3A_290 = arith.constant 16 : i32
      %mul3A_291 = arith.muli %scan3A_263, %mul3A_290 : i32
      %get3A_292 = arith.constant 3 : i32
      %get3A_293 = arith.index_cast %get3A_292 : i32 to index
      %get3A_294 = arith.index_cast %mul3A_291 : i32 to index
      %get3A_295 = tpu.vector_load %arg4[%get3A_293, %get3A_294] {strides = array<i32>} : memref<8x256xf32, #tpu.memory_space<vmem>>, vector<16xf32>,
      %mul3A_296 = arith.constant 16 : i32
      %mul3A_297 = arith.muli %scan3A_263, %mul3A_296 : i32
      %get3A_298 = arith.constant 4 : i32
      %get3A_299 = arith.index_cast %get3A_298 : i32 to index
      %get3A_300 = arith.index_cast %mul3A_297 : i32 to index
      %get3A_301 = tpu.vector_load %arg4[%get3A_299, %get3A_300] {strides = array<i32>} : memref<8x256xf32, #tpu.memory_space<vmem>>, vector<16xf32>,
      %mul3A_302 = arith.constant 16 : i32
      %mul3A_303 = arith.muli %scan3A_263, %mul3A_302 : i32
      %get3A_304 = arith.constant 5 : i32
      %get3A_305 = arith.index_cast %get3A_304 : i32 to index
      %get3A_306 = arith.index_cast %mul3A_303 : i32 to index
      %get3A_307 = tpu.vector_load %arg4[%get3A_305, %get3A_306] {strides = array<i32>} : memref<8x256xf32, #tpu.memory_space<vmem>>, vector<16xf32>,
      %mul3A_308 = arith.constant 16 : i32
      %mul3A_309 = arith.muli %scan3A_263, %mul3A_308 : i32
      %get3A_310 = arith.constant 6 : i32
      %get3A_311 = arith.index_cast %get3A_310 : i32 to index
      %get3A_312 = arith.index_cast %mul3A_309 : i32 to index
      %get3A_313 = tpu.vector_load %arg4[%get3A_311, %get3A_312] {strides = array<i32>} : memref<8x256xf32, #tpu.memory_space<vmem>>, vector<16xf32>,
      %mul3A_314 = arith.constant 16 : i32
      %mul3A_315 = arith.muli %scan3A_263, %mul3A_314 : i32
      %get3A_316 = arith.constant 7 : i32
      %get3A_317 = arith.index_cast %get3A_316 : i32 to index
      %get3A_318 = arith.index_cast %mul3A_315 : i32 to index
      %get3A_319 = tpu.vector_load %arg4[%get3A_317, %get3A_318] {strides = array<i32>} : memref<8x256xf32, #tpu.memory_space<vmem>>, vector<16xf32>,
      %max3A = arith.maximumf %get3A_277, %get3A_283 : vector<16xf32>
      %max3A_320 = arith.maximumf %max3A, %get3A_289 : vector<16xf32>
      %max3A_321 = arith.maximumf %max3A_320, %get3A_295 : vector<16xf32>
      %max3A_322 = arith.maximumf %max3A_321, %get3A_301 : vector<16xf32>
      %max3A_323 = arith.maximumf %max3A_322, %get3A_307 : vector<16xf32>
      %max3A_324 = arith.maximumf %max3A_323, %get3A_313 : vector<16xf32>
      %max3A_325 = arith.maximumf %max3A_324, %get3A_319 : vector<16xf32>
      %broadcast_in_dim3A_326 = arith.constant 7 : i32
      %broadcast_in_dim3A_327 = vector.broadcast %broadcast_in_dim3A_326 : i32 to vector<16xi32>
      %eq3A_328 = arith.cmpf oeq, %get3A_313, %max3A_325 : vector<16xf32>
      %broadcast_in_dim3A_329 = arith.constant 6 : i32
      %broadcast_in_dim3A_330 = vector.broadcast %broadcast_in_dim3A_329 : i32 to vector<16xi32>
      %select_n3A_331 = arith.select %eq3A_328, %broadcast_in_dim3A_330, %broadcast_in_dim3A_327 : vector<16xi1>, vector<16xi32>
      %eq3A_332 = arith.cmpf oeq, %get3A_307, %max3A_325 : vector<16xf32>
      %broadcast_in_dim3A_333 = arith.constant 5 : i32
      %broadcast_in_dim3A_334 = vector.broadcast %broadcast_in_dim3A_333 : i32 to vector<16xi32>
      %select_n3A_335 = arith.select %eq3A_332, %broadcast_in_dim3A_334, %select_n3A_331 : vector<16xi1>, vector<16xi32>
      %eq3A_336 = arith.cmpf oeq, %get3A_301, %max3A_325 : vector<16xf32>
      %broadcast_in_dim3A_337 = arith.constant 4 : i32
      %broadcast_in_dim3A_338 = vector.broadcast %broadcast_in_dim3A_337 : i32 to vector<16xi32>
      %select_n3A_339 = arith.select %eq3A_336, %broadcast_in_dim3A_338, %select_n3A_335 : vector<16xi1>, vector<16xi32>
      %eq3A_340 = arith.cmpf oeq, %get3A_295, %max3A_325 : vector<16xf32>
      %broadcast_in_dim3A_341 = arith.constant 3 : i32
      %broadcast_in_dim3A_342 = vector.broadcast %broadcast_in_dim3A_341 : i32 to vector<16xi32>
      %select_n3A_343 = arith.select %eq3A_340, %broadcast_in_dim3A_342, %select_n3A_339 : vector<16xi1>, vector<16xi32>
      %eq3A_344 = arith.cmpf oeq, %get3A_289, %max3A_325 : vector<16xf32>
      %broadcast_in_dim3A_345 = arith.constant 2 : i32
      %broadcast_in_dim3A_346 = vector.broadcast %broadcast_in_dim3A_345 : i32 to vector<16xi32>
      %select_n3A_347 = arith.select %eq3A_344, %broadcast_in_dim3A_346, %select_n3A_343 : vector<16xi1>, vector<16xi32>
      %eq3A_348 = arith.cmpf oeq, %get3A_283, %max3A_325 : vector<16xf32>
      %broadcast_in_dim3A_349 = arith.constant 1 : i32
      %broadcast_in_dim3A_350 = vector.broadcast %broadcast_in_dim3A_349 : i32 to vector<16xi32>
      %select_n3A_351 = arith.select %eq3A_348, %broadcast_in_dim3A_350, %select_n3A_347 : vector<16xi1>, vector<16xi32>
      %eq3A_352 = arith.cmpf oeq, %get3A_277, %max3A_325 : vector<16xf32>
      %broadcast_in_dim3A_353 = arith.constant 0 : i32
      %broadcast_in_dim3A_354 = vector.broadcast %broadcast_in_dim3A_353 : i32 to vector<16xi32>
      %select_n3A_355 = arith.select %eq3A_352, %broadcast_in_dim3A_354, %select_n3A_351 : vector<16xi1>, vector<16xi32>
      %broadcast_in_dim3A_356 = arith.constant 0 : i32
      %broadcast_in_dim3A_357 = vector.broadcast %broadcast_in_dim3A_356 : i32 to vector<16xi32>
      %eq3A_358 = arith.cmpi eq, %select_n3A_355, %broadcast_in_dim3A_357 : vector<16xi32>
      %broadcast_in_dim3A_359 = arith.constant -1.000000e+00 : f32
      %broadcast_in_dim3A_360 = vector.broadcast %broadcast_in_dim3A_359 : f32 to vector<16xf32>
      %select_n3A_361 = arith.select %eq3A_358, %broadcast_in_dim3A_360, %get3A_277 : vector<16xi1>, vector<16xf32>
      %broadcast_in_dim3A_362 = arith.constant 1 : i32
      %broadcast_in_dim3A_363 = vector.broadcast %broadcast_in_dim3A_362 : i32 to vector<16xi32>
      %eq3A_364 = arith.cmpi eq, %select_n3A_355, %broadcast_in_dim3A_363 : vector<16xi32>
      %broadcast_in_dim3A_365 = arith.constant -1.000000e+00 : f32
      %broadcast_in_dim3A_366 = vector.broadcast %broadcast_in_dim3A_365 : f32 to vector<16xf32>
      %select_n3A_367 = arith.select %eq3A_364, %broadcast_in_dim3A_366, %get3A_283 : vector<16xi1>, vector<16xf32>
      %broadcast_in_dim3A_368 = arith.constant 2 : i32
      %broadcast_in_dim3A_369 = vector.broadcast %broadcast_in_dim3A_368 : i32 to vector<16xi32>
      %eq3A_370 = arith.cmpi eq, %select_n3A_355, %broadcast_in_dim3A_369 : vector<16xi32>
      %broadcast_in_dim3A_371 = arith.constant -1.000000e+00 : f32
      %broadcast_in_dim3A_372 = vector.broadcast %broadcast_in_dim3A_371 : f32 to vector<16xf32>
      %select_n3A_373 = arith.select %eq3A_370, %broadcast_in_dim3A_372, %get3A_289 : vector<16xi1>, vector<16xf32>
      %broadcast_in_dim3A_374 = arith.constant 3 : i32
      %broadcast_in_dim3A_375 = vector.broadcast %broadcast_in_dim3A_374 : i32 to vector<16xi32>
      %eq3A_376 = arith.cmpi eq, %select_n3A_355, %broadcast_in_dim3A_375 : vector<16xi32>
      %broadcast_in_dim3A_377 = arith.constant -1.000000e+00 : f32
      %broadcast_in_dim3A_378 = vector.broadcast %broadcast_in_dim3A_377 : f32 to vector<16xf32>
      %select_n3A_379 = arith.select %eq3A_376, %broadcast_in_dim3A_378, %get3A_295 : vector<16xi1>, vector<16xf32>
      %broadcast_in_dim3A_380 = arith.constant 4 : i32
      %broadcast_in_dim3A_381 = vector.broadcast %broadcast_in_dim3A_380 : i32 to vector<16xi32>
      %eq3A_382 = arith.cmpi eq, %select_n3A_355, %broadcast_in_dim3A_381 : vector<16xi32>
      %broadcast_in_dim3A_383 = arith.constant -1.000000e+00 : f32
      %broadcast_in_dim3A_384 = vector.broadcast %broadcast_in_dim3A_383 : f32 to vector<16xf32>
      %select_n3A_385 = arith.select %eq3A_382, %broadcast_in_dim3A_384, %get3A_301 : vector<16xi1>, vector<16xf32>
      %broadcast_in_dim3A_386 = arith.constant 5 : i32
      %broadcast_in_dim3A_387 = vector.broadcast %broadcast_in_dim3A_386 : i32 to vector<16xi32>
      %eq3A_388 = arith.cmpi eq, %select_n3A_355, %broadcast_in_dim3A_387 : vector<16xi32>
      %broadcast_in_dim3A_389 = arith.constant -1.000000e+00 : f32
      %broadcast_in_dim3A_390 = vector.broadcast %broadcast_in_dim3A_389 : f32 to vector<16xf32>
      %select_n3A_391 = arith.select %eq3A_388, %broadcast_in_dim3A_390, %get3A_307 : vector<16xi1>, vector<16xf32>
      %broadcast_in_dim3A_392 = arith.constant 6 : i32
      %broadcast_in_dim3A_393 = vector.broadcast %broadcast_in_dim3A_392 : i32 to vector<16xi32>
      %eq3A_394 = arith.cmpi eq, %select_n3A_355, %broadcast_in_dim3A_393 : vector<16xi32>
      %broadcast_in_dim3A_395 = arith.constant -1.000000e+00 : f32
      %broadcast_in_dim3A_396 = vector.broadcast %broadcast_in_dim3A_395 : f32 to vector<16xf32>
      %select_n3A_397 = arith.select %eq3A_394, %broadcast_in_dim3A_396, %get3A_313 : vector<16xi1>, vector<16xf32>
      %broadcast_in_dim3A_398 = arith.constant 7 : i32
      %broadcast_in_dim3A_399 = vector.broadcast %broadcast_in_dim3A_398 : i32 to vector<16xi32>
      %eq3A_400 = arith.cmpi eq, %select_n3A_355, %broadcast_in_dim3A_399 : vector<16xi32>
      %broadcast_in_dim3A_401 = arith.constant -1.000000e+00 : f32
      %broadcast_in_dim3A_402 = vector.broadcast %broadcast_in_dim3A_401 : f32 to vector<16xf32>
      %select_n3A_403 = arith.select %eq3A_400, %broadcast_in_dim3A_402, %get3A_319 : vector<16xi1>, vector<16xf32>
      %max3A_404 = arith.maximumf %select_n3A_361, %select_n3A_367 : vector<16xf32>
      %max3A_405 = arith.maximumf %max3A_404, %select_n3A_373 : vector<16xf32>
      %max3A_406 = arith.maximumf %max3A_405, %select_n3A_379 : vector<16xf32>
      %max3A_407 = arith.maximumf %max3A_406, %select_n3A_385 : vector<16xf32>
      %max3A_408 = arith.maximumf %max3A_407, %select_n3A_391 : vector<16xf32>
      %max3A_409 = arith.maximumf %max3A_408, %select_n3A_397 : vector<16xf32>
      %max3A_410 = arith.maximumf %max3A_409, %select_n3A_403 : vector<16xf32>
      %broadcast_in_dim3A_411 = arith.constant 7 : i32
      %broadcast_in_dim3A_412 = vector.broadcast %broadcast_in_dim3A_411 : i32 to vector<16xi32>
      %eq3A_413 = arith.cmpf oeq, %select_n3A_397, %max3A_410 : vector<16xf32>
      %broadcast_in_dim3A_414 = arith.constant 6 : i32
      %broadcast_in_dim3A_415 = vector.broadcast %broadcast_in_dim3A_414 : i32 to vector<16xi32>
      %select_n3A_416 = arith.select %eq3A_413, %broadcast_in_dim3A_415, %broadcast_in_dim3A_412 : vector<16xi1>, vector<16xi32>
      %eq3A_417 = arith.cmpf oeq, %select_n3A_391, %max3A_410 : vector<16xf32>
      %broadcast_in_dim3A_418 = arith.constant 5 : i32
      %broadcast_in_dim3A_419 = vector.broadcast %broadcast_in_dim3A_418 : i32 to vector<16xi32>
      %select_n3A_420 = arith.select %eq3A_417, %broadcast_in_dim3A_419, %select_n3A_416 : vector<16xi1>, vector<16xi32>
      %eq3A_421 = arith.cmpf oeq, %select_n3A_385, %max3A_410 : vector<16xf32>
      %broadcast_in_dim3A_422 = arith.constant 4 : i32
      %broadcast_in_dim3A_423 = vector.broadcast %broadcast_in_dim3A_422 : i32 to vector<16xi32>
      %select_n3A_424 = arith.select %eq3A_421, %broadcast_in_dim3A_423, %select_n3A_420 : vector<16xi1>, vector<16xi32>
      %eq3A_425 = arith.cmpf oeq, %select_n3A_379, %max3A_410 : vector<16xf32>
      %broadcast_in_dim3A_426 = arith.constant 3 : i32
      %broadcast_in_dim3A_427 = vector.broadcast %broadcast_in_dim3A_426 : i32 to vector<16xi32>
      %select_n3A_428 = arith.select %eq3A_425, %broadcast_in_dim3A_427, %select_n3A_424 : vector<16xi1>, vector<16xi32>
      %eq3A_429 = arith.cmpf oeq, %select_n3A_373, %max3A_410 : vector<16xf32>
      %broadcast_in_dim3A_430 = arith.constant 2 : i32
      %broadcast_in_dim3A_431 = vector.broadcast %broadcast_in_dim3A_430 : i32 to vector<16xi32>
      %select_n3A_432 = arith.select %eq3A_429, %broadcast_in_dim3A_431, %select_n3A_428 : vector<16xi1>, vector<16xi32>
      %eq3A_433 = arith.cmpf oeq, %select_n3A_367, %max3A_410 : vector<16xf32>
      %broadcast_in_dim3A_434 = arith.constant 1 : i32
      %broadcast_in_dim3A_435 = vector.broadcast %broadcast_in_dim3A_434 : i32 to vector<16xi32>
      %select_n3A_436 = arith.select %eq3A_433, %broadcast_in_dim3A_435, %select_n3A_432 : vector<16xi1>, vector<16xi32>
      %eq3A_437 = arith.cmpf oeq, %select_n3A_361, %max3A_410 : vector<16xf32>
      %broadcast_in_dim3A_438 = arith.constant 0 : i32
      %broadcast_in_dim3A_439 = vector.broadcast %broadcast_in_dim3A_438 : i32 to vector<16xi32>
      %select_n3A_440 = arith.select %eq3A_437, %broadcast_in_dim3A_439, %select_n3A_436 : vector<16xi1>, vector<16xi32>
      %broadcast_in_dim3A_441 = arith.constant 1.228800e+03 : f32
      %broadcast_in_dim3A_442 = vector.broadcast %broadcast_in_dim3A_441 : f32 to vector<16xf32>
      %broadcast_in_dim3A_443 = arith.constant 0 : i32
      %broadcast_in_dim3A_444 = vector.broadcast %broadcast_in_dim3A_443 : i32 to vector<16xi32>
      %eq3A_445 = arith.cmpi eq, %select_n3A_355, %broadcast_in_dim3A_444 : vector<16xi32>
      %broadcast_in_dim3A_446 = arith.constant 0 : i32
      %broadcast_in_dim3A_447 = vector.broadcast %broadcast_in_dim3A_446 : i32 to vector<16xi32>
      %eq3A_448 = arith.cmpi eq, %select_n3A_440, %broadcast_in_dim3A_447 : vector<16xi32>
      %or3A = arith.ori %eq3A_445, %eq3A_448 : vector<16xi1>
      %convert_element_type3A = arith.extui %or3A : vector<16xi1> to vector<16xi32>
      %convert_element_type3A_449 = arith.sitofp %convert_element_type3A : vector<16xi32> to vector<16xf32>
      %broadcast_in_dim3A_450 = arith.constant true
      %broadcast_in_dim3A_451 = vector.broadcast %broadcast_in_dim3A_450 : i1 to vector<16xi1>
      %masked_cumsum3A = tpu.scan <sum>, %convert_element_type3A_449 masked %broadcast_in_dim3A_451 : vector<16xf32>, vector<16xi1> -> vector<16xf32>
      %broadcast_in_dim3A_452 = vector.broadcast %scan3A_264 : f32 to vector<16xf32>
      %add3A_453 = arith.addf %masked_cumsum3A, %broadcast_in_dim3A_452 : vector<16xf32>
      %reduce_sum3A_454 = arith.constant true
      %reduce_sum3A_455 = vector.broadcast %reduce_sum3A_454 : i1 to vector<16xi1>
      %reduce_sum3A_456 = tpu.scan <sum>, %convert_element_type3A_449 masked %reduce_sum3A_455 : vector<16xf32>, vector<16xi1> -> vector<16xf32>
      %reduce_sum3A_457 = vector.extract %reduce_sum3A_456[15] : f32 from vector<16xf32>
      %add3A_458 = arith.addf %scan3A_264, %reduce_sum3A_457 : f32
      %gt3A_459 = arith.cmpf ogt, %add3A_453, %broadcast_in_dim3A_442 : vector<16xf32>
      %select_n3A_460 = arith.select %gt3A_459, %broadcast_in_dim3A_1, %get3A_277 : vector<16xi1>, vector<16xf32>
      %broadcast_in_dim3A_461 = arith.constant 1 : i32
      %broadcast_in_dim3A_462 = vector.broadcast %broadcast_in_dim3A_461 : i32 to vector<16xi32>
      %eq3A_463 = arith.cmpi eq, %select_n3A_355, %broadcast_in_dim3A_462 : vector<16xi32>
      %broadcast_in_dim3A_464 = arith.constant 1 : i32
      %broadcast_in_dim3A_465 = vector.broadcast %broadcast_in_dim3A_464 : i32 to vector<16xi32>
      %eq3A_466 = arith.cmpi eq, %select_n3A_440, %broadcast_in_dim3A_465 : vector<16xi32>
      %or3A_467 = arith.ori %eq3A_463, %eq3A_466 : vector<16xi1>
      %convert_element_type3A_468 = arith.extui %or3A_467 : vector<16xi1> to vector<16xi32>
      %convert_element_type3A_469 = arith.sitofp %convert_element_type3A_468 : vector<16xi32> to vector<16xf32>
      %broadcast_in_dim3A_470 = arith.constant true
      %broadcast_in_dim3A_471 = vector.broadcast %broadcast_in_dim3A_470 : i1 to vector<16xi1>
      %masked_cumsum3A_472 = tpu.scan <sum>, %convert_element_type3A_469 masked %broadcast_in_dim3A_471 : vector<16xf32>, vector<16xi1> -> vector<16xf32>
      %broadcast_in_dim3A_473 = vector.broadcast %scan3A_265 : f32 to vector<16xf32>
      %add3A_474 = arith.addf %masked_cumsum3A_472, %broadcast_in_dim3A_473 : vector<16xf32>
      %reduce_sum3A_475 = arith.constant true
      %reduce_sum3A_476 = vector.broadcast %reduce_sum3A_475 : i1 to vector<16xi1>
      %reduce_sum3A_477 = tpu.scan <sum>, %convert_element_type3A_469 masked %reduce_sum3A_476 : vector<16xf32>, vector<16xi1> -> vector<16xf32>
      %reduce_sum3A_478 = vector.extract %reduce_sum3A_477[15] : f32 from vector<16xf32>
      %add3A_479 = arith.addf %scan3A_265, %reduce_sum3A_478 : f32
      %gt3A_480 = arith.cmpf ogt, %add3A_474, %broadcast_in_dim3A_442 : vector<16xf32>
      %select_n3A_481 = arith.select %gt3A_480, %broadcast_in_dim3A_1, %get3A_283 : vector<16xi1>, vector<16xf32>
      %broadcast_in_dim3A_482 = arith.constant 2 : i32
      %broadcast_in_dim3A_483 = vector.broadcast %broadcast_in_dim3A_482 : i32 to vector<16xi32>
      %eq3A_484 = arith.cmpi eq, %select_n3A_355, %broadcast_in_dim3A_483 : vector<16xi32>
      %broadcast_in_dim3A_485 = arith.constant 2 : i32
      %broadcast_in_dim3A_486 = vector.broadcast %broadcast_in_dim3A_485 : i32 to vector<16xi32>
      %eq3A_487 = arith.cmpi eq, %select_n3A_440, %broadcast_in_dim3A_486 : vector<16xi32>
      %or3A_488 = arith.ori %eq3A_484, %eq3A_487 : vector<16xi1>
      %convert_element_type3A_489 = arith.extui %or3A_488 : vector<16xi1> to vector<16xi32>
      %convert_element_type3A_490 = arith.sitofp %convert_element_type3A_489 : vector<16xi32> to vector<16xf32>
      %broadcast_in_dim3A_491 = arith.constant true
      %broadcast_in_dim3A_492 = vector.broadcast %broadcast_in_dim3A_491 : i1 to vector<16xi1>
      %masked_cumsum3A_493 = tpu.scan <sum>, %convert_element_type3A_490 masked %broadcast_in_dim3A_492 : vector<16xf32>, vector<16xi1> -> vector<16xf32>
      %broadcast_in_dim3A_494 = vector.broadcast %scan3A_266 : f32 to vector<16xf32>
      %add3A_495 = arith.addf %masked_cumsum3A_493, %broadcast_in_dim3A_494 : vector<16xf32>
      %reduce_sum3A_496 = arith.constant true
      %reduce_sum3A_497 = vector.broadcast %reduce_sum3A_496 : i1 to vector<16xi1>
      %reduce_sum3A_498 = tpu.scan <sum>, %convert_element_type3A_490 masked %reduce_sum3A_497 : vector<16xf32>, vector<16xi1> -> vector<16xf32>
      %reduce_sum3A_499 = vector.extract %reduce_sum3A_498[15] : f32 from vector<16xf32>
      %add3A_500 = arith.addf %scan3A_266, %reduce_sum3A_499 : f32
      %gt3A_501 = arith.cmpf ogt, %add3A_495, %broadcast_in_dim3A_442 : vector<16xf32>
      %select_n3A_502 = arith.select %gt3A_501, %broadcast_in_dim3A_1, %get3A_289 : vector<16xi1>, vector<16xf32>
      %broadcast_in_dim3A_503 = arith.constant 3 : i32
      %broadcast_in_dim3A_504 = vector.broadcast %broadcast_in_dim3A_503 : i32 to vector<16xi32>
      %eq3A_505 = arith.cmpi eq, %select_n3A_355, %broadcast_in_dim3A_504 : vector<16xi32>
      %broadcast_in_dim3A_506 = arith.constant 3 : i32
      %broadcast_in_dim3A_507 = vector.broadcast %broadcast_in_dim3A_506 : i32 to vector<16xi32>
      %eq3A_508 = arith.cmpi eq, %select_n3A_440, %broadcast_in_dim3A_507 : vector<16xi32>
      %or3A_509 = arith.ori %eq3A_505, %eq3A_508 : vector<16xi1>
      %convert_element_type3A_510 = arith.extui %or3A_509 : vector<16xi1> to vector<16xi32>
      %convert_element_type3A_511 = arith.sitofp %convert_element_type3A_510 : vector<16xi32> to vector<16xf32>
      %broadcast_in_dim3A_512 = arith.constant true
      %broadcast_in_dim3A_513 = vector.broadcast %broadcast_in_dim3A_512 : i1 to vector<16xi1>
      %masked_cumsum3A_514 = tpu.scan <sum>, %convert_element_type3A_511 masked %broadcast_in_dim3A_513 : vector<16xf32>, vector<16xi1> -> vector<16xf32>
      %broadcast_in_dim3A_515 = vector.broadcast %scan3A_267 : f32 to vector<16xf32>
      %add3A_516 = arith.addf %masked_cumsum3A_514, %broadcast_in_dim3A_515 : vector<16xf32>
      %reduce_sum3A_517 = arith.constant true
      %reduce_sum3A_518 = vector.broadcast %reduce_sum3A_517 : i1 to vector<16xi1>
      %reduce_sum3A_519 = tpu.scan <sum>, %convert_element_type3A_511 masked %reduce_sum3A_518 : vector<16xf32>, vector<16xi1> -> vector<16xf32>
      %reduce_sum3A_520 = vector.extract %reduce_sum3A_519[15] : f32 from vector<16xf32>
      %add3A_521 = arith.addf %scan3A_267, %reduce_sum3A_520 : f32
      %gt3A_522 = arith.cmpf ogt, %add3A_516, %broadcast_in_dim3A_442 : vector<16xf32>
      %select_n3A_523 = arith.select %gt3A_522, %broadcast_in_dim3A_1, %get3A_295 : vector<16xi1>, vector<16xf32>
      %broadcast_in_dim3A_524 = arith.constant 4 : i32
      %broadcast_in_dim3A_525 = vector.broadcast %broadcast_in_dim3A_524 : i32 to vector<16xi32>
      %eq3A_526 = arith.cmpi eq, %select_n3A_355, %broadcast_in_dim3A_525 : vector<16xi32>
      %broadcast_in_dim3A_527 = arith.constant 4 : i32
      %broadcast_in_dim3A_528 = vector.broadcast %broadcast_in_dim3A_527 : i32 to vector<16xi32>
      %eq3A_529 = arith.cmpi eq, %select_n3A_440, %broadcast_in_dim3A_528 : vector<16xi32>
      %or3A_530 = arith.ori %eq3A_526, %eq3A_529 : vector<16xi1>
      %convert_element_type3A_531 = arith.extui %or3A_530 : vector<16xi1> to vector<16xi32>
      %convert_element_type3A_532 = arith.sitofp %convert_element_type3A_531 : vector<16xi32> to vector<16xf32>
      %broadcast_in_dim3A_533 = arith.constant true
      %broadcast_in_dim3A_534 = vector.broadcast %broadcast_in_dim3A_533 : i1 to vector<16xi1>
      %masked_cumsum3A_535 = tpu.scan <sum>, %convert_element_type3A_532 masked %broadcast_in_dim3A_534 : vector<16xf32>, vector<16xi1> -> vector<16xf32>
      %broadcast_in_dim3A_536 = vector.broadcast %scan3A_268 : f32 to vector<16xf32>
      %add3A_537 = arith.addf %masked_cumsum3A_535, %broadcast_in_dim3A_536 : vector<16xf32>
      %reduce_sum3A_538 = arith.constant true
      %reduce_sum3A_539 = vector.broadcast %reduce_sum3A_538 : i1 to vector<16xi1>
      %reduce_sum3A_540 = tpu.scan <sum>, %convert_element_type3A_532 masked %reduce_sum3A_539 : vector<16xf32>, vector<16xi1> -> vector<16xf32>
      %reduce_sum3A_541 = vector.extract %reduce_sum3A_540[15] : f32 from vector<16xf32>
      %add3A_542 = arith.addf %scan3A_268, %reduce_sum3A_541 : f32
      %gt3A_543 = arith.cmpf ogt, %add3A_537, %broadcast_in_dim3A_442 : vector<16xf32>
      %select_n3A_544 = arith.select %gt3A_543, %broadcast_in_dim3A_1, %get3A_301 : vector<16xi1>, vector<16xf32>
      %broadcast_in_dim3A_545 = arith.constant 5 : i32
      %broadcast_in_dim3A_546 = vector.broadcast %broadcast_in_dim3A_545 : i32 to vector<16xi32>
      %eq3A_547 = arith.cmpi eq, %select_n3A_355, %broadcast_in_dim3A_546 : vector<16xi32>
      %broadcast_in_dim3A_548 = arith.constant 5 : i32
      %broadcast_in_dim3A_549 = vector.broadcast %broadcast_in_dim3A_548 : i32 to vector<16xi32>
      %eq3A_550 = arith.cmpi eq, %select_n3A_440, %broadcast_in_dim3A_549 : vector<16xi32>
      %or3A_551 = arith.ori %eq3A_547, %eq3A_550 : vector<16xi1>
      %convert_element_type3A_552 = arith.extui %or3A_551 : vector<16xi1> to vector<16xi32>
      %convert_element_type3A_553 = arith.sitofp %convert_element_type3A_552 : vector<16xi32> to vector<16xf32>
      %broadcast_in_dim3A_554 = arith.constant true
      %broadcast_in_dim3A_555 = vector.broadcast %broadcast_in_dim3A_554 : i1 to vector<16xi1>
      %masked_cumsum3A_556 = tpu.scan <sum>, %convert_element_type3A_553 masked %broadcast_in_dim3A_555 : vector<16xf32>, vector<16xi1> -> vector<16xf32>
      %broadcast_in_dim3A_557 = vector.broadcast %scan3A_269 : f32 to vector<16xf32>
      %add3A_558 = arith.addf %masked_cumsum3A_556, %broadcast_in_dim3A_557 : vector<16xf32>
      %reduce_sum3A_559 = arith.constant true
      %reduce_sum3A_560 = vector.broadcast %reduce_sum3A_559 : i1 to vector<16xi1>
      %reduce_sum3A_561 = tpu.scan <sum>, %convert_element_type3A_553 masked %reduce_sum3A_560 : vector<16xf32>, vector<16xi1> -> vector<16xf32>
      %reduce_sum3A_562 = vector.extract %reduce_sum3A_561[15] : f32 from vector<16xf32>
      %add3A_563 = arith.addf %scan3A_269, %reduce_sum3A_562 : f32
      %gt3A_564 = arith.cmpf ogt, %add3A_558, %broadcast_in_dim3A_442 : vector<16xf32>
      %select_n3A_565 = arith.select %gt3A_564, %broadcast_in_dim3A_1, %get3A_307 : vector<16xi1>, vector<16xf32>
      %broadcast_in_dim3A_566 = arith.constant 6 : i32
      %broadcast_in_dim3A_567 = vector.broadcast %broadcast_in_dim3A_566 : i32 to vector<16xi32>
      %eq3A_568 = arith.cmpi eq, %select_n3A_355, %broadcast_in_dim3A_567 : vector<16xi32>
      %broadcast_in_dim3A_569 = arith.constant 6 : i32
      %broadcast_in_dim3A_570 = vector.broadcast %broadcast_in_dim3A_569 : i32 to vector<16xi32>
      %eq3A_571 = arith.cmpi eq, %select_n3A_440, %broadcast_in_dim3A_570 : vector<16xi32>
      %or3A_572 = arith.ori %eq3A_568, %eq3A_571 : vector<16xi1>
      %convert_element_type3A_573 = arith.extui %or3A_572 : vector<16xi1> to vector<16xi32>
      %convert_element_type3A_574 = arith.sitofp %convert_element_type3A_573 : vector<16xi32> to vector<16xf32>
      %broadcast_in_dim3A_575 = arith.constant true
      %broadcast_in_dim3A_576 = vector.broadcast %broadcast_in_dim3A_575 : i1 to vector<16xi1>
      %masked_cumsum3A_577 = tpu.scan <sum>, %convert_element_type3A_574 masked %broadcast_in_dim3A_576 : vector<16xf32>, vector<16xi1> -> vector<16xf32>
      %broadcast_in_dim3A_578 = vector.broadcast %scan3A_270 : f32 to vector<16xf32>
      %add3A_579 = arith.addf %masked_cumsum3A_577, %broadcast_in_dim3A_578 : vector<16xf32>
      %reduce_sum3A_580 = arith.constant true
      %reduce_sum3A_581 = vector.broadcast %reduce_sum3A_580 : i1 to vector<16xi1>
      %reduce_sum3A_582 = tpu.scan <sum>, %convert_element_type3A_574 masked %reduce_sum3A_581 : vector<16xf32>, vector<16xi1> -> vector<16xf32>
      %reduce_sum3A_583 = vector.extract %reduce_sum3A_582[15] : f32 from vector<16xf32>
      %add3A_584 = arith.addf %scan3A_270, %reduce_sum3A_583 : f32
      %gt3A_585 = arith.cmpf ogt, %add3A_579, %broadcast_in_dim3A_442 : vector<16xf32>
      %select_n3A_586 = arith.select %gt3A_585, %broadcast_in_dim3A_1, %get3A_313 : vector<16xi1>, vector<16xf32>
      %broadcast_in_dim3A_587 = arith.constant 7 : i32
      %broadcast_in_dim3A_588 = vector.broadcast %broadcast_in_dim3A_587 : i32 to vector<16xi32>
      %eq3A_589 = arith.cmpi eq, %select_n3A_355, %broadcast_in_dim3A_588 : vector<16xi32>
      %broadcast_in_dim3A_590 = arith.constant 7 : i32
      %broadcast_in_dim3A_591 = vector.broadcast %broadcast_in_dim3A_590 : i32 to vector<16xi32>
      %eq3A_592 = arith.cmpi eq, %select_n3A_440, %broadcast_in_dim3A_591 : vector<16xi32>
      %or3A_593 = arith.ori %eq3A_589, %eq3A_592 : vector<16xi1>
      %convert_element_type3A_594 = arith.extui %or3A_593 : vector<16xi1> to vector<16xi32>
      %convert_element_type3A_595 = arith.sitofp %convert_element_type3A_594 : vector<16xi32> to vector<16xf32>
      %broadcast_in_dim3A_596 = arith.constant true
      %broadcast_in_dim3A_597 = vector.broadcast %broadcast_in_dim3A_596 : i1 to vector<16xi1>
      %masked_cumsum3A_598 = tpu.scan <sum>, %convert_element_type3A_595 masked %broadcast_in_dim3A_597 : vector<16xf32>, vector<16xi1> -> vector<16xf32>
      %broadcast_in_dim3A_599 = vector.broadcast %scan3A_271 : f32 to vector<16xf32>
      %add3A_600 = arith.addf %masked_cumsum3A_598, %broadcast_in_dim3A_599 : vector<16xf32>
      %reduce_sum3A_601 = arith.constant true
      %reduce_sum3A_602 = vector.broadcast %reduce_sum3A_601 : i1 to vector<16xi1>
      %reduce_sum3A_603 = tpu.scan <sum>, %convert_element_type3A_595 masked %reduce_sum3A_602 : vector<16xf32>, vector<16xi1> -> vector<16xf32>
      %reduce_sum3A_604 = vector.extract %reduce_sum3A_603[15] : f32 from vector<16xf32>
      %add3A_605 = arith.addf %scan3A_271, %reduce_sum3A_604 : f32
      %gt3A_606 = arith.cmpf ogt, %add3A_600, %broadcast_in_dim3A_442 : vector<16xf32>
      %select_n3A_607 = arith.select %gt3A_606, %broadcast_in_dim3A_1, %get3A_319 : vector<16xi1>, vector<16xf32>
      %max3A_608 = arith.maximumf %select_n3A_460, %select_n3A_481 : vector<16xf32>
      %max3A_609 = arith.maximumf %max3A_608, %select_n3A_502 : vector<16xf32>
      %max3A_610 = arith.maximumf %max3A_609, %select_n3A_523 : vector<16xf32>
      %max3A_611 = arith.maximumf %max3A_610, %select_n3A_544 : vector<16xf32>
      %max3A_612 = arith.maximumf %max3A_611, %select_n3A_565 : vector<16xf32>
      %max3A_613 = arith.maximumf %max3A_612, %select_n3A_586 : vector<16xf32>
      %max3A_614 = arith.maximumf %max3A_613, %select_n3A_607 : vector<16xf32>
      %broadcast_in_dim3A_615 = arith.constant 7 : i32
      %broadcast_in_dim3A_616 = vector.broadcast %broadcast_in_dim3A_615 : i32 to vector<16xi32>
      %eq3A_617 = arith.cmpf oeq, %select_n3A_586, %max3A_614 : vector<16xf32>
      %broadcast_in_dim3A_618 = arith.constant 6 : i32
      %broadcast_in_dim3A_619 = vector.broadcast %broadcast_in_dim3A_618 : i32 to vector<16xi32>
      %select_n3A_620 = arith.select %eq3A_617, %broadcast_in_dim3A_619, %broadcast_in_dim3A_616 : vector<16xi1>, vector<16xi32>
      %eq3A_621 = arith.cmpf oeq, %select_n3A_565, %max3A_614 : vector<16xf32>
      %broadcast_in_dim3A_622 = arith.constant 5 : i32
      %broadcast_in_dim3A_623 = vector.broadcast %broadcast_in_dim3A_622 : i32 to vector<16xi32>
      %select_n3A_624 = arith.select %eq3A_621, %broadcast_in_dim3A_623, %select_n3A_620 : vector<16xi1>, vector<16xi32>
      %eq3A_625 = arith.cmpf oeq, %select_n3A_544, %max3A_614 : vector<16xf32>
      %broadcast_in_dim3A_626 = arith.constant 4 : i32
      %broadcast_in_dim3A_627 = vector.broadcast %broadcast_in_dim3A_626 : i32 to vector<16xi32>
      %select_n3A_628 = arith.select %eq3A_625, %broadcast_in_dim3A_627, %select_n3A_624 : vector<16xi1>, vector<16xi32>
      %eq3A_629 = arith.cmpf oeq, %select_n3A_523, %max3A_614 : vector<16xf32>
      %broadcast_in_dim3A_630 = arith.constant 3 : i32
      %broadcast_in_dim3A_631 = vector.broadcast %broadcast_in_dim3A_630 : i32 to vector<16xi32>
      %select_n3A_632 = arith.select %eq3A_629, %broadcast_in_dim3A_631, %select_n3A_628 : vector<16xi1>, vector<16xi32>
      %eq3A_633 = arith.cmpf oeq, %select_n3A_502, %max3A_614 : vector<16xf32>
      %broadcast_in_dim3A_634 = arith.constant 2 : i32
      %broadcast_in_dim3A_635 = vector.broadcast %broadcast_in_dim3A_634 : i32 to vector<16xi32>
      %select_n3A_636 = arith.select %eq3A_633, %broadcast_in_dim3A_635, %select_n3A_632 : vector<16xi1>, vector<16xi32>
      %eq3A_637 = arith.cmpf oeq, %select_n3A_481, %max3A_614 : vector<16xf32>
      %broadcast_in_dim3A_638 = arith.constant 1 : i32
      %broadcast_in_dim3A_639 = vector.broadcast %broadcast_in_dim3A_638 : i32 to vector<16xi32>
      %select_n3A_640 = arith.select %eq3A_637, %broadcast_in_dim3A_639, %select_n3A_636 : vector<16xi1>, vector<16xi32>
      %eq3A_641 = arith.cmpf oeq, %select_n3A_460, %max3A_614 : vector<16xf32>
      %broadcast_in_dim3A_642 = arith.constant 0 : i32
      %broadcast_in_dim3A_643 = vector.broadcast %broadcast_in_dim3A_642 : i32 to vector<16xi32>
      %select_n3A_644 = arith.select %eq3A_641, %broadcast_in_dim3A_643, %select_n3A_640 : vector<16xi1>, vector<16xi32>
      %broadcast_in_dim3A_645 = arith.constant 0 : i32
      %broadcast_in_dim3A_646 = vector.broadcast %broadcast_in_dim3A_645 : i32 to vector<16xi32>
      %eq3A_647 = arith.cmpi eq, %select_n3A_644, %broadcast_in_dim3A_646 : vector<16xi32>
      %broadcast_in_dim3A_648 = arith.constant -1.000000e+00 : f32
      %broadcast_in_dim3A_649 = vector.broadcast %broadcast_in_dim3A_648 : f32 to vector<16xf32>
      %select_n3A_650 = arith.select %eq3A_647, %broadcast_in_dim3A_649, %select_n3A_460 : vector<16xi1>, vector<16xf32>
      %broadcast_in_dim3A_651 = arith.constant 1 : i32
      %broadcast_in_dim3A_652 = vector.broadcast %broadcast_in_dim3A_651 : i32 to vector<16xi32>
      %eq3A_653 = arith.cmpi eq, %select_n3A_644, %broadcast_in_dim3A_652 : vector<16xi32>
      %broadcast_in_dim3A_654 = arith.constant -1.000000e+00 : f32
      %broadcast_in_dim3A_655 = vector.broadcast %broadcast_in_dim3A_654 : f32 to vector<16xf32>
      %select_n3A_656 = arith.select %eq3A_653, %broadcast_in_dim3A_655, %select_n3A_481 : vector<16xi1>, vector<16xf32>
      %broadcast_in_dim3A_657 = arith.constant 2 : i32
      %broadcast_in_dim3A_658 = vector.broadcast %broadcast_in_dim3A_657 : i32 to vector<16xi32>
      %eq3A_659 = arith.cmpi eq, %select_n3A_644, %broadcast_in_dim3A_658 : vector<16xi32>
      %broadcast_in_dim3A_660 = arith.constant -1.000000e+00 : f32
      %broadcast_in_dim3A_661 = vector.broadcast %broadcast_in_dim3A_660 : f32 to vector<16xf32>
      %select_n3A_662 = arith.select %eq3A_659, %broadcast_in_dim3A_661, %select_n3A_502 : vector<16xi1>, vector<16xf32>
      %broadcast_in_dim3A_663 = arith.constant 3 : i32
      %broadcast_in_dim3A_664 = vector.broadcast %broadcast_in_dim3A_663 : i32 to vector<16xi32>
      %eq3A_665 = arith.cmpi eq, %select_n3A_644, %broadcast_in_dim3A_664 : vector<16xi32>
      %broadcast_in_dim3A_666 = arith.constant -1.000000e+00 : f32
      %broadcast_in_dim3A_667 = vector.broadcast %broadcast_in_dim3A_666 : f32 to vector<16xf32>
      %select_n3A_668 = arith.select %eq3A_665, %broadcast_in_dim3A_667, %select_n3A_523 : vector<16xi1>, vector<16xf32>
      %broadcast_in_dim3A_669 = arith.constant 4 : i32
      %broadcast_in_dim3A_670 = vector.broadcast %broadcast_in_dim3A_669 : i32 to vector<16xi32>
      %eq3A_671 = arith.cmpi eq, %select_n3A_644, %broadcast_in_dim3A_670 : vector<16xi32>
      %broadcast_in_dim3A_672 = arith.constant -1.000000e+00 : f32
      %broadcast_in_dim3A_673 = vector.broadcast %broadcast_in_dim3A_672 : f32 to vector<16xf32>
      %select_n3A_674 = arith.select %eq3A_671, %broadcast_in_dim3A_673, %select_n3A_544 : vector<16xi1>, vector<16xf32>
      %broadcast_in_dim3A_675 = arith.constant 5 : i32
      %broadcast_in_dim3A_676 = vector.broadcast %broadcast_in_dim3A_675 : i32 to vector<16xi32>
      %eq3A_677 = arith.cmpi eq, %select_n3A_644, %broadcast_in_dim3A_676 : vector<16xi32>
      %broadcast_in_dim3A_678 = arith.constant -1.000000e+00 : f32
      %broadcast_in_dim3A_679 = vector.broadcast %broadcast_in_dim3A_678 : f32 to vector<16xf32>
      %select_n3A_680 = arith.select %eq3A_677, %broadcast_in_dim3A_679, %select_n3A_565 : vector<16xi1>, vector<16xf32>
      %broadcast_in_dim3A_681 = arith.constant 6 : i32
      %broadcast_in_dim3A_682 = vector.broadcast %broadcast_in_dim3A_681 : i32 to vector<16xi32>
      %eq3A_683 = arith.cmpi eq, %select_n3A_644, %broadcast_in_dim3A_682 : vector<16xi32>
      %broadcast_in_dim3A_684 = arith.constant -1.000000e+00 : f32
      %broadcast_in_dim3A_685 = vector.broadcast %broadcast_in_dim3A_684 : f32 to vector<16xf32>
      %select_n3A_686 = arith.select %eq3A_683, %broadcast_in_dim3A_685, %select_n3A_586 : vector<16xi1>, vector<16xf32>
      %broadcast_in_dim3A_687 = arith.constant 7 : i32
      %broadcast_in_dim3A_688 = vector.broadcast %broadcast_in_dim3A_687 : i32 to vector<16xi32>
      %eq3A_689 = arith.cmpi eq, %select_n3A_644, %broadcast_in_dim3A_688 : vector<16xi32>
      %broadcast_in_dim3A_690 = arith.constant -1.000000e+00 : f32
      %broadcast_in_dim3A_691 = vector.broadcast %broadcast_in_dim3A_690 : f32 to vector<16xf32>
      %select_n3A_692 = arith.select %eq3A_689, %broadcast_in_dim3A_691, %select_n3A_607 : vector<16xi1>, vector<16xf32>
      %max3A_693 = arith.maximumf %select_n3A_650, %select_n3A_656 : vector<16xf32>
      %max3A_694 = arith.maximumf %max3A_693, %select_n3A_662 : vector<16xf32>
      %max3A_695 = arith.maximumf %max3A_694, %select_n3A_668 : vector<16xf32>
      %max3A_696 = arith.maximumf %max3A_695, %select_n3A_674 : vector<16xf32>
      %max3A_697 = arith.maximumf %max3A_696, %select_n3A_680 : vector<16xf32>
      %max3A_698 = arith.maximumf %max3A_697, %select_n3A_686 : vector<16xf32>
      %max3A_699 = arith.maximumf %max3A_698, %select_n3A_692 : vector<16xf32>
      %broadcast_in_dim3A_700 = arith.constant 7 : i32
      %broadcast_in_dim3A_701 = vector.broadcast %broadcast_in_dim3A_700 : i32 to vector<16xi32>
      %eq3A_702 = arith.cmpf oeq, %select_n3A_686, %max3A_699 : vector<16xf32>
      %broadcast_in_dim3A_703 = arith.constant 6 : i32
      %broadcast_in_dim3A_704 = vector.broadcast %broadcast_in_dim3A_703 : i32 to vector<16xi32>
      %select_n3A_705 = arith.select %eq3A_702, %broadcast_in_dim3A_704, %broadcast_in_dim3A_701 : vector<16xi1>, vector<16xi32>
      %eq3A_706 = arith.cmpf oeq, %select_n3A_680, %max3A_699 : vector<16xf32>
      %broadcast_in_dim3A_707 = arith.constant 5 : i32
      %broadcast_in_dim3A_708 = vector.broadcast %broadcast_in_dim3A_707 : i32 to vector<16xi32>
      %select_n3A_709 = arith.select %eq3A_706, %broadcast_in_dim3A_708, %select_n3A_705 : vector<16xi1>, vector<16xi32>
      %eq3A_710 = arith.cmpf oeq, %select_n3A_674, %max3A_699 : vector<16xf32>
      %broadcast_in_dim3A_711 = arith.constant 4 : i32
      %broadcast_in_dim3A_712 = vector.broadcast %broadcast_in_dim3A_711 : i32 to vector<16xi32>
      %select_n3A_713 = arith.select %eq3A_710, %broadcast_in_dim3A_712, %select_n3A_709 : vector<16xi1>, vector<16xi32>
      %eq3A_714 = arith.cmpf oeq, %select_n3A_668, %max3A_699 : vector<16xf32>
      %broadcast_in_dim3A_715 = arith.constant 3 : i32
      %broadcast_in_dim3A_716 = vector.broadcast %broadcast_in_dim3A_715 : i32 to vector<16xi32>
      %select_n3A_717 = arith.select %eq3A_714, %broadcast_in_dim3A_716, %select_n3A_713 : vector<16xi1>, vector<16xi32>
      %eq3A_718 = arith.cmpf oeq, %select_n3A_662, %max3A_699 : vector<16xf32>
      %broadcast_in_dim3A_719 = arith.constant 2 : i32
      %broadcast_in_dim3A_720 = vector.broadcast %broadcast_in_dim3A_719 : i32 to vector<16xi32>
      %select_n3A_721 = arith.select %eq3A_718, %broadcast_in_dim3A_720, %select_n3A_717 : vector<16xi1>, vector<16xi32>
      %eq3A_722 = arith.cmpf oeq, %select_n3A_656, %max3A_699 : vector<16xf32>
      %broadcast_in_dim3A_723 = arith.constant 1 : i32
      %broadcast_in_dim3A_724 = vector.broadcast %broadcast_in_dim3A_723 : i32 to vector<16xi32>
      %select_n3A_725 = arith.select %eq3A_722, %broadcast_in_dim3A_724, %select_n3A_721 : vector<16xi1>, vector<16xi32>
      %eq3A_726 = arith.cmpf oeq, %select_n3A_650, %max3A_699 : vector<16xf32>
      %broadcast_in_dim3A_727 = arith.constant 0 : i32
      %broadcast_in_dim3A_728 = vector.broadcast %broadcast_in_dim3A_727 : i32 to vector<16xi32>
      %select_n3A_729 = arith.select %eq3A_726, %broadcast_in_dim3A_728, %select_n3A_725 : vector<16xi1>, vector<16xi32>
      %broadcast_in_dim3A_730 = arith.constant 0 : i32
      %broadcast_in_dim3A_731 = vector.broadcast %broadcast_in_dim3A_730 : i32 to vector<16xi32>
      %eq3A_732 = arith.cmpi eq, %select_n3A_644, %broadcast_in_dim3A_731 : vector<16xi32>
      %broadcast_in_dim3A_733 = arith.constant 0 : i32
      %broadcast_in_dim3A_734 = vector.broadcast %broadcast_in_dim3A_733 : i32 to vector<16xi32>
      %eq3A_735 = arith.cmpi eq, %select_n3A_729, %broadcast_in_dim3A_734 : vector<16xi32>
      %select_n3A_736 = arith.select %eq3A_735, %max3A_699, %broadcast_in_dim3A_1 : vector<16xi1>, vector<16xf32>
      %select_n3A_737 = arith.select %eq3A_732, %max3A_614, %select_n3A_736 : vector<16xi1>, vector<16xf32>
      %mul3A_738 = arith.constant 16 : i32
      %mul3A_739 = arith.muli %scan3A_263, %mul3A_738 : i32
      %swap3A_740 = arith.constant 0 : i32
      %swap3A_741 = arith.index_cast %swap3A_740 : i32 to index
      %swap3A_742 = arith.index_cast %mul3A_739 : i32 to index
      %swap3A_743 = tpu.vector_load %arg5[%swap3A_741, %swap3A_742] {strides = array<i32>} : memref<8x256xf32, #tpu.memory_space<vmem>>, vector<16xf32>,
      tpu.vector_store %arg5[%swap3A_741, %swap3A_742], %select_n3A_737 {strides = array<i32>} : memref<8x256xf32, #tpu.memory_space<vmem>>, vector<16xf32>,
      %broadcast_in_dim3A_744 = arith.constant 1 : i32
      %broadcast_in_dim3A_745 = vector.broadcast %broadcast_in_dim3A_744 : i32 to vector<16xi32>
      %eq3A_746 = arith.cmpi eq, %select_n3A_644, %broadcast_in_dim3A_745 : vector<16xi32>
      %broadcast_in_dim3A_747 = arith.constant 1 : i32
      %broadcast_in_dim3A_748 = vector.broadcast %broadcast_in_dim3A_747 : i32 to vector<16xi32>
      %eq3A_749 = arith.cmpi eq, %select_n3A_729, %broadcast_in_dim3A_748 : vector<16xi32>
      %select_n3A_750 = arith.select %eq3A_749, %max3A_699, %broadcast_in_dim3A_1 : vector<16xi1>, vector<16xf32>
      %select_n3A_751 = arith.select %eq3A_746, %max3A_614, %select_n3A_750 : vector<16xi1>, vector<16xf32>
      %mul3A_752 = arith.constant 16 : i32
      %mul3A_753 = arith.muli %scan3A_263, %mul3A_752 : i32
      %swap3A_754 = arith.constant 1 : i32
      %swap3A_755 = arith.index_cast %swap3A_754 : i32 to index
      %swap3A_756 = arith.index_cast %mul3A_753 : i32 to index
      %swap3A_757 = tpu.vector_load %arg5[%swap3A_755, %swap3A_756] {strides = array<i32>} : memref<8x256xf32, #tpu.memory_space<vmem>>, vector<16xf32>,
      tpu.vector_store %arg5[%swap3A_755, %swap3A_756], %select_n3A_751 {strides = array<i32>} : memref<8x256xf32, #tpu.memory_space<vmem>>, vector<16xf32>,
      %broadcast_in_dim3A_758 = arith.constant 2 : i32
      %broadcast_in_dim3A_759 = vector.broadcast %broadcast_in_dim3A_758 : i32 to vector<16xi32>
      %eq3A_760 = arith.cmpi eq, %select_n3A_644, %broadcast_in_dim3A_759 : vector<16xi32>
      %broadcast_in_dim3A_761 = arith.constant 2 : i32
      %broadcast_in_dim3A_762 = vector.broadcast %broadcast_in_dim3A_761 : i32 to vector<16xi32>
      %eq3A_763 = arith.cmpi eq, %select_n3A_729, %broadcast_in_dim3A_762 : vector<16xi32>
      %select_n3A_764 = arith.select %eq3A_763, %max3A_699, %broadcast_in_dim3A_1 : vector<16xi1>, vector<16xf32>
      %select_n3A_765 = arith.select %eq3A_760, %max3A_614, %select_n3A_764 : vector<16xi1>, vector<16xf32>
      %mul3A_766 = arith.constant 16 : i32
      %mul3A_767 = arith.muli %scan3A_263, %mul3A_766 : i32
      %swap3A_768 = arith.constant 2 : i32
      %swap3A_769 = arith.index_cast %swap3A_768 : i32 to index
      %swap3A_770 = arith.index_cast %mul3A_767 : i32 to index
      %swap3A_771 = tpu.vector_load %arg5[%swap3A_769, %swap3A_770] {strides = array<i32>} : memref<8x256xf32, #tpu.memory_space<vmem>>, vector<16xf32>,
      tpu.vector_store %arg5[%swap3A_769, %swap3A_770], %select_n3A_765 {strides = array<i32>} : memref<8x256xf32, #tpu.memory_space<vmem>>, vector<16xf32>,
      %broadcast_in_dim3A_772 = arith.constant 3 : i32
      %broadcast_in_dim3A_773 = vector.broadcast %broadcast_in_dim3A_772 : i32 to vector<16xi32>
      %eq3A_774 = arith.cmpi eq, %select_n3A_644, %broadcast_in_dim3A_773 : vector<16xi32>
      %broadcast_in_dim3A_775 = arith.constant 3 : i32
      %broadcast_in_dim3A_776 = vector.broadcast %broadcast_in_dim3A_775 : i32 to vector<16xi32>
      %eq3A_777 = arith.cmpi eq, %select_n3A_729, %broadcast_in_dim3A_776 : vector<16xi32>
      %select_n3A_778 = arith.select %eq3A_777, %max3A_699, %broadcast_in_dim3A_1 : vector<16xi1>, vector<16xf32>
      %select_n3A_779 = arith.select %eq3A_774, %max3A_614, %select_n3A_778 : vector<16xi1>, vector<16xf32>
      %mul3A_780 = arith.constant 16 : i32
      %mul3A_781 = arith.muli %scan3A_263, %mul3A_780 : i32
      %swap3A_782 = arith.constant 3 : i32
      %swap3A_783 = arith.index_cast %swap3A_782 : i32 to index
      %swap3A_784 = arith.index_cast %mul3A_781 : i32 to index
      %swap3A_785 = tpu.vector_load %arg5[%swap3A_783, %swap3A_784] {strides = array<i32>} : memref<8x256xf32, #tpu.memory_space<vmem>>, vector<16xf32>,
      tpu.vector_store %arg5[%swap3A_783, %swap3A_784], %select_n3A_779 {strides = array<i32>} : memref<8x256xf32, #tpu.memory_space<vmem>>, vector<16xf32>,
      %broadcast_in_dim3A_786 = arith.constant 4 : i32
      %broadcast_in_dim3A_787 = vector.broadcast %broadcast_in_dim3A_786 : i32 to vector<16xi32>
      %eq3A_788 = arith.cmpi eq, %select_n3A_644, %broadcast_in_dim3A_787 : vector<16xi32>
      %broadcast_in_dim3A_789 = arith.constant 4 : i32
      %broadcast_in_dim3A_790 = vector.broadcast %broadcast_in_dim3A_789 : i32 to vector<16xi32>
      %eq3A_791 = arith.cmpi eq, %select_n3A_729, %broadcast_in_dim3A_790 : vector<16xi32>
      %select_n3A_792 = arith.select %eq3A_791, %max3A_699, %broadcast_in_dim3A_1 : vector<16xi1>, vector<16xf32>
      %select_n3A_793 = arith.select %eq3A_788, %max3A_614, %select_n3A_792 : vector<16xi1>, vector<16xf32>
      %mul3A_794 = arith.constant 16 : i32
      %mul3A_795 = arith.muli %scan3A_263, %mul3A_794 : i32
      %swap3A_796 = arith.constant 4 : i32
      %swap3A_797 = arith.index_cast %swap3A_796 : i32 to index
      %swap3A_798 = arith.index_cast %mul3A_795 : i32 to index
      %swap3A_799 = tpu.vector_load %arg5[%swap3A_797, %swap3A_798] {strides = array<i32>} : memref<8x256xf32, #tpu.memory_space<vmem>>, vector<16xf32>,
      tpu.vector_store %arg5[%swap3A_797, %swap3A_798], %select_n3A_793 {strides = array<i32>} : memref<8x256xf32, #tpu.memory_space<vmem>>, vector<16xf32>,
      %broadcast_in_dim3A_800 = arith.constant 5 : i32
      %broadcast_in_dim3A_801 = vector.broadcast %broadcast_in_dim3A_800 : i32 to vector<16xi32>
      %eq3A_802 = arith.cmpi eq, %select_n3A_644, %broadcast_in_dim3A_801 : vector<16xi32>
      %broadcast_in_dim3A_803 = arith.constant 5 : i32
      %broadcast_in_dim3A_804 = vector.broadcast %broadcast_in_dim3A_803 : i32 to vector<16xi32>
      %eq3A_805 = arith.cmpi eq, %select_n3A_729, %broadcast_in_dim3A_804 : vector<16xi32>
      %select_n3A_806 = arith.select %eq3A_805, %max3A_699, %broadcast_in_dim3A_1 : vector<16xi1>, vector<16xf32>
      %select_n3A_807 = arith.select %eq3A_802, %max3A_614, %select_n3A_806 : vector<16xi1>, vector<16xf32>
      %mul3A_808 = arith.constant 16 : i32
      %mul3A_809 = arith.muli %scan3A_263, %mul3A_808 : i32
      %swap3A_810 = arith.constant 5 : i32
      %swap3A_811 = arith.index_cast %swap3A_810 : i32 to index
      %swap3A_812 = arith.index_cast %mul3A_809 : i32 to index
      %swap3A_813 = tpu.vector_load %arg5[%swap3A_811, %swap3A_812] {strides = array<i32>} : memref<8x256xf32, #tpu.memory_space<vmem>>, vector<16xf32>,
      tpu.vector_store %arg5[%swap3A_811, %swap3A_812], %select_n3A_807 {strides = array<i32>} : memref<8x256xf32, #tpu.memory_space<vmem>>, vector<16xf32>,
      %broadcast_in_dim3A_814 = arith.constant 6 : i32
      %broadcast_in_dim3A_815 = vector.broadcast %broadcast_in_dim3A_814 : i32 to vector<16xi32>
      %eq3A_816 = arith.cmpi eq, %select_n3A_644, %broadcast_in_dim3A_815 : vector<16xi32>
      %broadcast_in_dim3A_817 = arith.constant 6 : i32
      %broadcast_in_dim3A_818 = vector.broadcast %broadcast_in_dim3A_817 : i32 to vector<16xi32>
      %eq3A_819 = arith.cmpi eq, %select_n3A_729, %broadcast_in_dim3A_818 : vector<16xi32>
      %select_n3A_820 = arith.select %eq3A_819, %max3A_699, %broadcast_in_dim3A_1 : vector<16xi1>, vector<16xf32>
      %select_n3A_821 = arith.select %eq3A_816, %max3A_614, %select_n3A_820 : vector<16xi1>, vector<16xf32>
      %mul3A_822 = arith.constant 16 : i32
      %mul3A_823 = arith.muli %scan3A_263, %mul3A_822 : i32
      %swap3A_824 = arith.constant 6 : i32
      %swap3A_825 = arith.index_cast %swap3A_824 : i32 to index
      %swap3A_826 = arith.index_cast %mul3A_823 : i32 to index
      %swap3A_827 = tpu.vector_load %arg5[%swap3A_825, %swap3A_826] {strides = array<i32>} : memref<8x256xf32, #tpu.memory_space<vmem>>, vector<16xf32>,
      tpu.vector_store %arg5[%swap3A_825, %swap3A_826], %select_n3A_821 {strides = array<i32>} : memref<8x256xf32, #tpu.memory_space<vmem>>, vector<16xf32>,
      %broadcast_in_dim3A_828 = arith.constant 7 : i32
      %broadcast_in_dim3A_829 = vector.broadcast %broadcast_in_dim3A_828 : i32 to vector<16xi32>
      %eq3A_830 = arith.cmpi eq, %select_n3A_644, %broadcast_in_dim3A_829 : vector<16xi32>
      %broadcast_in_dim3A_831 = arith.constant 7 : i32
      %broadcast_in_dim3A_832 = vector.broadcast %broadcast_in_dim3A_831 : i32 to vector<16xi32>
      %eq3A_833 = arith.cmpi eq, %select_n3A_729, %broadcast_in_dim3A_832 : vector<16xi32>
      %select_n3A_834 = arith.select %eq3A_833, %max3A_699, %broadcast_in_dim3A_1 : vector<16xi1>, vector<16xf32>
      %select_n3A_835 = arith.select %eq3A_830, %max3A_614, %select_n3A_834 : vector<16xi1>, vector<16xf32>
      %mul3A_836 = arith.constant 16 : i32
      %mul3A_837 = arith.muli %scan3A_263, %mul3A_836 : i32
      %swap3A_838 = arith.constant 7 : i32
      %swap3A_839 = arith.index_cast %swap3A_838 : i32 to index
      %swap3A_840 = arith.index_cast %mul3A_837 : i32 to index
      %swap3A_841 = tpu.vector_load %arg5[%swap3A_839, %swap3A_840] {strides = array<i32>} : memref<8x256xf32, #tpu.memory_space<vmem>>, vector<16xf32>,
      tpu.vector_store %arg5[%swap3A_839, %swap3A_840], %select_n3A_835 {strides = array<i32>} : memref<8x256xf32, #tpu.memory_space<vmem>>, vector<16xf32>,
      scf.yield %add3A_458, %add3A_479, %add3A_500, %add3A_521, %add3A_542, %add3A_563, %add3A_584, %add3A_605 : f32, f32, f32, f32, f32, f32, f32, f32
    }
    %scan3A_262 = arith.constant 16 : i32
    "tpu.region"() ({
      %run_scoped3A = tpu.sem_alloc : memref<!tpu.dma_semaphore, #tpu.memory_space<semaphore_mem>>
      %dma_start3A = arith.constant 0 : i32
      %dma_start3A_263 = tpu.memref_slice %arg3[%dma_start3A, %mul3A_0] : memref<8x4096xf32, #tpu.memory_space<hbm>> -> memref<8x256xf32, #tpu.memory_space<hbm>>
      %dma_start3A_264 = arith.constant 0 : i32
      %dma_start3A_265 = tpu.memref_slice %arg3[%dma_start3A_264, %mul3A_0] : memref<8x4096xf32, #tpu.memory_space<hbm>> -> memref<8x256xf32, #tpu.memory_space<hbm>>
      tpu.enqueue_dma source(%arg5 : memref<8x256xf32, #tpu.memory_space<vmem>>) target(%dma_start3A_265 : memref<8x256xf32, #tpu.memory_space<hbm>>) target_semaphore(%run_scoped3A : memref<!tpu.dma_semaphore, #tpu.memory_space<semaphore_mem>>)
      %dma_wait3A = arith.constant 0 : i32
      %dma_wait3A_266 = tpu.memref_slice %arg3[%dma_wait3A, %mul3A_0] : memref<8x4096xf32, #tpu.memory_space<hbm>> -> memref<8x256xf32, #tpu.memory_space<hbm>>
      %dma_wait3A_267 = arith.constant 0 : i32
      %dma_wait3A_268 = tpu.memref_slice %arg3[%dma_wait3A_267, %mul3A_0] : memref<8x4096xf32, #tpu.memory_space<hbm>> -> memref<8x256xf32, #tpu.memory_space<hbm>>
      tpu.wait_dma2 semaphore(%run_scoped3A : memref<!tpu.dma_semaphore, #tpu.memory_space<semaphore_mem>>) src(%arg5 : memref<8x256xf32, #tpu.memory_space<vmem>>) dst(%dma_wait3A_268 : memref<8x256xf32, #tpu.memory_space<hbm>>)
      tpu.yield
    }) : () -> ()
    return
  }
}

module attributes {stable_mosaic.version = 14 : i64} {
  func.func @_gate_body(%arg0: i32, %arg1: memref<2048x1024xf32, #tpu.memory_space<vmem>>, %arg2: memref<1024x8xf32, #tpu.memory_space<vmem>>, %arg3: memref<1x8xf32, #tpu.memory_space<vmem>>, %arg4: memref<256x8xf32, #tpu.memory_space<vmem>>) attributes {dimension_semantics = [#tpu.dimension_semantics<arbitrary>], iteration_bounds = array<i64: 16>, scalar_prefetch = 0 : i64, scratch_operands = 0 : i64, tpu.core_type = #tpu.core_type<tc>, window_params = [{transform_indices = @transform_0, window_bounds = array<i64: 2048, 1024>}, {pipeline_mode = #tpu.pipeline_mode<synchronous>, transform_indices = @transform_1, window_bounds = array<i64: 1024, 8>}, {pipeline_mode = #tpu.pipeline_mode<synchronous>, transform_indices = @transform_2, window_bounds = array<i64: 1, 8>}, {transform_indices = @transform_3, window_bounds = array<i64: 256, 8>}]} {
    %get3A = arith.constant 0 : index
    %get3A_0 = arith.constant 0 : index
    %get3A_1 = vector.load %arg1[%get3A, %get3A_0] : memref<2048x1024xf32, #tpu.memory_space<vmem>>, vector<2048x1024xf32>
    %get3A_2 = arith.constant 0 : index
    %get3A_3 = arith.constant 0 : index
    %get3A_4 = vector.load %arg2[%get3A_2, %get3A_3] : memref<1024x8xf32, #tpu.memory_space<vmem>>, vector<1024x8xf32>
    %dot_general3A = arith.constant dense<0.000000e+00> : vector<2048x8xf32>
    %dot_general3A_5 = tpu.matmul %get3A_1, %get3A_4, %dot_general3A {dimension_numbers = #tpu.dot_dimension_numbers<[1], [0], [0], [1], [0, 0, 1, 1], [], []>, transpose_lhs_hint = false} : vector<2048x1024xf32>, vector<1024x8xf32>, vector<2048x8xf32> -> vector<2048x8xf32>
    %get3A_6 = arith.constant 0 : index
    %get3A_7 = arith.constant 0 : index
    %get3A_8 = vector.load %arg3[%get3A_6, %get3A_7] : memref<1x8xf32, #tpu.memory_space<vmem>>, vector<1x8xf32>
    %add3A = vector.broadcast %get3A_8 : vector<1x8xf32> to vector<2048x8xf32>
    %add3A_9 = arith.addf %dot_general3A_5, %add3A : vector<2048x8xf32>
    %reduce_max3A = arith.constant dense<0xFF800000> : vector<2048xf32>
    %reduce_max3A_10 = vector.multi_reduction <maximumf>, %add3A_9, %reduce_max3A [1] : vector<2048x8xf32> to vector<2048xf32>
    %broadcast_in_dim3A = vector.shape_cast %reduce_max3A_10 : vector<2048xf32> to vector<2048x1xf32>
    %sub3A = vector.broadcast %broadcast_in_dim3A : vector<2048x1xf32> to vector<2048x8xf32>
    %sub3A_11 = arith.subf %add3A_9, %sub3A : vector<2048x8xf32>
    %exp3A = math.exp %sub3A_11 : vector<2048x8xf32>
    %reduce_sum3A = arith.constant dense<0.000000e+00> : vector<2048xf32>
    %reduce_sum3A_12 = vector.multi_reduction <add>, %exp3A, %reduce_sum3A [1] : vector<2048x8xf32> to vector<2048xf32>
    %broadcast_in_dim3A_13 = vector.shape_cast %reduce_sum3A_12 : vector<2048xf32> to vector<2048x1xf32>
    %div3A = vector.broadcast %broadcast_in_dim3A_13 : vector<2048x1xf32> to vector<2048x8xf32>
    %div3A_14 = arith.divf %exp3A, %div3A : vector<2048x8xf32>
    %reshape3A = vector.shape_cast %div3A_14 : vector<2048x8xf32> to vector<256x8x8xf32>
    %reduce_sum3A_15 = arith.constant dense<0.000000e+00> : vector<256x8xf32>
    %reduce_sum3A_16 = vector.multi_reduction <add>, %reshape3A, %reduce_sum3A_15 [1] : vector<256x8x8xf32> to vector<256x8xf32>
    %mul3A = arith.constant 1.250000e-01 : f32
    %mul3A_17 = vector.broadcast %mul3A : f32 to vector<256x8xf32>
    %mul3A_18 = arith.mulf %reduce_sum3A_16, %mul3A_17 : vector<256x8xf32>
    %swap3A = arith.constant 0 : index
    %swap3A_19 = arith.constant 0 : index
    %swap3A_20 = vector.load %arg4[%swap3A, %swap3A_19] : memref<256x8xf32, #tpu.memory_space<vmem>>, vector<256x8xf32>
    tpu.vector_store %arg4[%swap3A, %swap3A_19], %mul3A_18 {strides = array<i32>} : memref<256x8xf32, #tpu.memory_space<vmem>>, vector<256x8xf32>,
    return
  }
  func.func @transform_0(%arg0: i32) -> (i32, i32) {
    %c0_i32 = arith.constant 0 : i32
    %c0_i32_0 = arith.constant 0 : i32
    return %arg0, %c0_i32 : i32, i32
  }
  func.func @transform_1(%arg0: i32) -> (i32, i32) {
    %c0_i32 = arith.constant 0 : i32
    %c0_i32_0 = arith.constant 0 : i32
    %c0_i32_1 = arith.constant 0 : i32
    return %c0_i32, %c0_i32_0 : i32, i32
  }
  func.func @transform_2(%arg0: i32) -> (i32, i32) {
    %c0_i32 = arith.constant 0 : i32
    %c0_i32_0 = arith.constant 0 : i32
    %c0_i32_1 = arith.constant 0 : i32
    return %c0_i32, %c0_i32_0 : i32, i32
  }
  func.func @transform_3(%arg0: i32) -> (i32, i32) {
    %c0_i32 = arith.constant 0 : i32
    %c0_i32_0 = arith.constant 0 : i32
    return %arg0, %c0_i32 : i32, i32
  }
}

module attributes {stable_mosaic.version = 14 : i64} {
  func.func @_expert_body(%arg0: i32, %arg1: i32, %arg2: memref<512x8192xbf16, #tpu.memory_space<vmem>>, %arg3: memref<1x8192x1024xbf16, #tpu.memory_space<vmem>>, %arg4: memref<1x1x1024xf32, #tpu.memory_space<vmem>>, %arg5: memref<1x1024x128xbf16, #tpu.memory_space<vmem>>, %arg6: memref<1x1x128xf32, #tpu.memory_space<vmem>>, %arg7: memref<512x8xf32, #tpu.memory_space<vmem>>, %arg8: memref<512x128xf32, #tpu.memory_space<vmem>>, %arg9: memref<512x128xf32, #tpu.memory_space<vmem>>, %arg10: memref<512x128xf32, #tpu.memory_space<vmem>>, %arg11: memref<512x128xf32, #tpu.memory_space<vmem>>, %arg12: memref<512x128xf32, #tpu.memory_space<vmem>>) attributes {dimension_semantics = [#tpu.dimension_semantics<parallel>, #tpu.dimension_semantics<arbitrary>], iteration_bounds = array<i64: 8, 8>, scalar_prefetch = 0 : i64, scratch_operands = 3 : i64, tpu.core_type = #tpu.core_type<tc>, window_params = [{transform_indices = @transform_0, window_bounds = array<i64: 512, 8192>}, {transform_indices = @transform_1, window_bounds = array<i64: 1, 8192, 1024>}, {transform_indices = @transform_2, window_bounds = array<i64: 1, 1, 1024>}, {transform_indices = @transform_3, window_bounds = array<i64: 1, 1024, 128>}, {transform_indices = @transform_4, window_bounds = array<i64: 1, 1, 128>}, {transform_indices = @transform_5, window_bounds = array<i64: 512, 8>}, {transform_indices = @transform_6, window_bounds = array<i64: 512, 128>}, {transform_indices = @transform_7, window_bounds = array<i64: 512, 128>}]} {
    %get3A = arith.constant 0 : index
    %get3A_0 = arith.constant 0 : index
    %get3A_1 = vector.load %arg2[%get3A, %get3A_0] : memref<512x8192xbf16, #tpu.memory_space<vmem>>, vector<512x8192xbf16>
    %get3A_2 = arith.constant 0 : index
    %get3A_3 = arith.constant 0 : index
    %get3A_4 = arith.constant 0 : index
    %get3A_5 = vector.load %arg3[%get3A_2, %get3A_3, %get3A_4] : memref<1x8192x1024xbf16, #tpu.memory_space<vmem>>, vector<1x8192x1024xbf16>
    %get3A_6 = vector.shape_cast %get3A_5 : vector<1x8192x1024xbf16> to vector<8192x1024xbf16>
    %dot_general3A = arith.constant dense<0.000000e+00> : vector<512x1024xf32>
    %dot_general3A_7 = tpu.matmul %get3A_1, %get3A_6, %dot_general3A {dimension_numbers = #tpu.dot_dimension_numbers<[1], [0], [0], [1], [0, 0, 1, 1], [], []>, transpose_lhs_hint = false} : vector<512x8192xbf16>, vector<8192x1024xbf16>, vector<512x1024xf32> -> vector<512x1024xf32>
    %get3A_8 = arith.constant 0 : index
    %get3A_9 = arith.constant 0 : index
    %get3A_10 = arith.constant 0 : index
    %get3A_11 = vector.load %arg4[%get3A_8, %get3A_9, %get3A_10] : memref<1x1x1024xf32, #tpu.memory_space<vmem>>, vector<1x1x1024xf32>
    %get3A_12 = vector.shape_cast %get3A_11 : vector<1x1x1024xf32> to vector<1x1024xf32>
    %add3A = vector.broadcast %get3A_12 : vector<1x1024xf32> to vector<512x1024xf32>
    %add3A_13 = arith.addf %dot_general3A_7, %add3A : vector<512x1024xf32>
    %max3A = arith.constant 0.000000e+00 : f32
    %max3A_14 = vector.broadcast %max3A : f32 to vector<512x1024xf32>
    %max3A_15 = arith.maximumf %add3A_13, %max3A_14 : vector<512x1024xf32>
    %convert_element_type3A = arith.truncf %max3A_15 : vector<512x1024xf32> to vector<512x1024xbf16>
    %get3A_16 = arith.constant 0 : index
    %get3A_17 = arith.constant 0 : index
    %get3A_18 = arith.constant 0 : index
    %get3A_19 = vector.load %arg5[%get3A_16, %get3A_17, %get3A_18] : memref<1x1024x128xbf16, #tpu.memory_space<vmem>>, vector<1x1024x128xbf16>
    %get3A_20 = vector.shape_cast %get3A_19 : vector<1x1024x128xbf16> to vector<1024x128xbf16>
    %dot_general3A_21 = arith.constant dense<0.000000e+00> : vector<512x128xf32>
    %dot_general3A_22 = tpu.matmul %convert_element_type3A, %get3A_20, %dot_general3A_21 {dimension_numbers = #tpu.dot_dimension_numbers<[1], [0], [0], [1], [0, 0, 1, 1], [], []>, transpose_lhs_hint = false} : vector<512x1024xbf16>, vector<1024x128xbf16>, vector<512x128xf32> -> vector<512x128xf32>
    %get3A_23 = arith.constant 0 : index
    %get3A_24 = arith.constant 0 : index
    %get3A_25 = arith.constant 0 : index
    %get3A_26 = vector.load %arg6[%get3A_23, %get3A_24, %get3A_25] : memref<1x1x128xf32, #tpu.memory_space<vmem>>, vector<1x1x128xf32>
    %get3A_27 = vector.shape_cast %get3A_26 : vector<1x1x128xf32> to vector<1x128xf32>
    %add3A_28 = vector.broadcast %get3A_27 : vector<1x128xf32> to vector<512x128xf32>
    %add3A_29 = arith.addf %dot_general3A_22, %add3A_28 : vector<512x128xf32>
    %iota3A = tpu.iota {dimensions = array<i32: 1>} : vector<1x8xi32>
    %eq3A = vector.broadcast %arg1 : i32 to vector<1x8xi32>
    %eq3A_30 = arith.cmpi eq, %iota3A, %eq3A : vector<1x8xi32>
    %get3A_31 = arith.constant 0 : index
    %get3A_32 = arith.constant 0 : index
    %get3A_33 = vector.load %arg7[%get3A_31, %get3A_32] : memref<512x8xf32, #tpu.memory_space<vmem>>, vector<512x8xf32>
    %jit3A = arith.constant 0.000000e+00 : f32
    %broadcast_in_dim3A = vector.shape_cast %eq3A_30 : vector<1x8xi1> to vector<1x8xi1>
    %broadcast_in_dim3A_34 = vector.broadcast %broadcast_in_dim3A : vector<1x8xi1> to vector<512x8xi1>
    %broadcast_in_dim3A_35 = vector.broadcast %jit3A : f32 to vector<512x8xf32>
    %select_n3A = arith.select %broadcast_in_dim3A_34, %get3A_33, %broadcast_in_dim3A_35 : vector<512x8xi1>, vector<512x8xf32>
    %reduce_sum3A = arith.constant dense<0.000000e+00> : vector<512xf32>
    %reduce_sum3A_36 = vector.multi_reduction <add>, %select_n3A, %reduce_sum3A [1] : vector<512x8xf32> to vector<512xf32>
    %broadcast_in_dim3A_37 = vector.shape_cast %reduce_sum3A_36 : vector<512xf32> to vector<512x1xf32>
    %eq3A_38 = arith.constant 0 : i32
    %eq3A_39 = arith.cmpi eq, %arg1, %eq3A_38 : i32
    %convert_element_type3A_40 = arith.extui %eq3A_39 : i1 to i32
    %cond3A = arith.constant 0 : i32
    %cond3A_41 = arith.cmpi ne, %convert_element_type3A_40, %cond3A : i32
    scf.if %cond3A_41 {
      %mul3A = vector.broadcast %broadcast_in_dim3A_37 : vector<512x1xf32> to vector<512x128xf32>
      %mul3A_51 = arith.mulf %add3A_29, %mul3A : vector<512x128xf32>
      %swap3A = arith.constant 0 : index
      %swap3A_52 = arith.constant 0 : index
      %swap3A_53 = vector.load %arg10[%swap3A, %swap3A_52] : memref<512x128xf32, #tpu.memory_space<vmem>>, vector<512x128xf32>
      tpu.vector_store %arg10[%swap3A, %swap3A_52], %mul3A_51 {strides = array<i32>} : memref<512x128xf32, #tpu.memory_space<vmem>>, vector<512x128xf32>,
      %swap3A_54 = arith.constant 0 : index
      %swap3A_55 = arith.constant 0 : index
      %swap3A_56 = vector.load %arg11[%swap3A_54, %swap3A_55] : memref<512x128xf32, #tpu.memory_space<vmem>>, vector<512x128xf32>
      tpu.vector_store %arg11[%swap3A_54, %swap3A_55], %add3A_29 {strides = array<i32>} : memref<512x128xf32, #tpu.memory_space<vmem>>, vector<512x128xf32>,
      %mul3A_57 = arith.mulf %add3A_29, %add3A_29 : vector<512x128xf32>
      %swap3A_58 = arith.constant 0 : index
      %swap3A_59 = arith.constant 0 : index
      %swap3A_60 = vector.load %arg12[%swap3A_58, %swap3A_59] : memref<512x128xf32, #tpu.memory_space<vmem>>, vector<512x128xf32>
      tpu.vector_store %arg12[%swap3A_58, %swap3A_59], %mul3A_57 {strides = array<i32>} : memref<512x128xf32, #tpu.memory_space<vmem>>, vector<512x128xf32>,
    } else {
    }
    %gt3A = arith.constant 0 : i32
    %gt3A_42 = arith.cmpi sgt, %arg1, %gt3A : i32
    %convert_element_type3A_43 = arith.extui %gt3A_42 : i1 to i32
    %cond3A_44 = arith.constant 0 : i32
    %cond3A_45 = arith.cmpi ne, %convert_element_type3A_43, %cond3A_44 : i32
    scf.if %cond3A_45 {
      %get3A_51 = arith.constant 0 : index
      %get3A_52 = arith.constant 0 : index
      %get3A_53 = vector.load %arg10[%get3A_51, %get3A_52] : memref<512x128xf32, #tpu.memory_space<vmem>>, vector<512x128xf32>
      %mul3A = vector.broadcast %broadcast_in_dim3A_37 : vector<512x1xf32> to vector<512x128xf32>
      %mul3A_54 = arith.mulf %add3A_29, %mul3A : vector<512x128xf32>
      %add3A_55 = arith.addf %get3A_53, %mul3A_54 : vector<512x128xf32>
      %swap3A = arith.constant 0 : index
      %swap3A_56 = arith.constant 0 : index
      %swap3A_57 = vector.load %arg10[%swap3A, %swap3A_56] : memref<512x128xf32, #tpu.memory_space<vmem>>, vector<512x128xf32>
      tpu.vector_store %arg10[%swap3A, %swap3A_56], %add3A_55 {strides = array<i32>} : memref<512x128xf32, #tpu.memory_space<vmem>>, vector<512x128xf32>,
      %get3A_58 = arith.constant 0 : index
      %get3A_59 = arith.constant 0 : index
      %get3A_60 = vector.load %arg11[%get3A_58, %get3A_59] : memref<512x128xf32, #tpu.memory_space<vmem>>, vector<512x128xf32>
      %add3A_61 = arith.addf %get3A_60, %add3A_29 : vector<512x128xf32>
      %swap3A_62 = arith.constant 0 : index
      %swap3A_63 = arith.constant 0 : index
      %swap3A_64 = vector.load %arg11[%swap3A_62, %swap3A_63] : memref<512x128xf32, #tpu.memory_space<vmem>>, vector<512x128xf32>
      tpu.vector_store %arg11[%swap3A_62, %swap3A_63], %add3A_61 {strides = array<i32>} : memref<512x128xf32, #tpu.memory_space<vmem>>, vector<512x128xf32>,
      %get3A_65 = arith.constant 0 : index
      %get3A_66 = arith.constant 0 : index
      %get3A_67 = vector.load %arg12[%get3A_65, %get3A_66] : memref<512x128xf32, #tpu.memory_space<vmem>>, vector<512x128xf32>
      %mul3A_68 = arith.mulf %add3A_29, %add3A_29 : vector<512x128xf32>
      %add3A_69 = arith.addf %get3A_67, %mul3A_68 : vector<512x128xf32>
      %swap3A_70 = arith.constant 0 : index
      %swap3A_71 = arith.constant 0 : index
      %swap3A_72 = vector.load %arg12[%swap3A_70, %swap3A_71] : memref<512x128xf32, #tpu.memory_space<vmem>>, vector<512x128xf32>
      tpu.vector_store %arg12[%swap3A_70, %swap3A_71], %add3A_69 {strides = array<i32>} : memref<512x128xf32, #tpu.memory_space<vmem>>, vector<512x128xf32>,
    } else {
    }
    %eq3A_46 = arith.constant 7 : i32
    %eq3A_47 = arith.cmpi eq, %arg1, %eq3A_46 : i32
    %convert_element_type3A_48 = arith.extui %eq3A_47 : i1 to i32
    %cond3A_49 = arith.constant 0 : i32
    %cond3A_50 = arith.cmpi ne, %convert_element_type3A_48, %cond3A_49 : i32
    scf.if %cond3A_50 {
      %get3A_51 = arith.constant 0 : index
      %get3A_52 = arith.constant 0 : index
      %get3A_53 = vector.load %arg10[%get3A_51, %get3A_52] : memref<512x128xf32, #tpu.memory_space<vmem>>, vector<512x128xf32>
      %swap3A = arith.constant 0 : index
      %swap3A_54 = arith.constant 0 : index
      %swap3A_55 = vector.load %arg8[%swap3A, %swap3A_54] : memref<512x128xf32, #tpu.memory_space<vmem>>, vector<512x128xf32>
      tpu.vector_store %arg8[%swap3A, %swap3A_54], %get3A_53 {strides = array<i32>} : memref<512x128xf32, #tpu.memory_space<vmem>>, vector<512x128xf32>,
      %get3A_56 = arith.constant 0 : index
      %get3A_57 = arith.constant 0 : index
      %get3A_58 = vector.load %arg11[%get3A_56, %get3A_57] : memref<512x128xf32, #tpu.memory_space<vmem>>, vector<512x128xf32>
      %get3A_59 = arith.constant 0 : index
      %get3A_60 = arith.constant 0 : index
      %get3A_61 = vector.load %arg12[%get3A_59, %get3A_60] : memref<512x128xf32, #tpu.memory_space<vmem>>, vector<512x128xf32>
      %mul3A = arith.mulf %get3A_58, %get3A_58 : vector<512x128xf32>
      %mul3A_62 = arith.constant 1.250000e-01 : f32
      %mul3A_63 = vector.broadcast %mul3A_62 : f32 to vector<512x128xf32>
      %mul3A_64 = arith.mulf %mul3A, %mul3A_63 : vector<512x128xf32>
      %sub3A = arith.subf %get3A_61, %mul3A_64 : vector<512x128xf32>
      %mul3A_65 = arith.constant 0.142857149 : f32
      %mul3A_66 = vector.broadcast %mul3A_65 : f32 to vector<512x128xf32>
      %mul3A_67 = arith.mulf %sub3A, %mul3A_66 : vector<512x128xf32>
      %swap3A_68 = arith.constant 0 : index
      %swap3A_69 = arith.constant 0 : index
      %swap3A_70 = vector.load %arg9[%swap3A_68, %swap3A_69] : memref<512x128xf32, #tpu.memory_space<vmem>>, vector<512x128xf32>
      tpu.vector_store %arg9[%swap3A_68, %swap3A_69], %mul3A_67 {strides = array<i32>} : memref<512x128xf32, #tpu.memory_space<vmem>>, vector<512x128xf32>,
    } else {
    }
    return
  }
  func.func @transform_0(%arg0: i32, %arg1: i32) -> (i32, i32) {
    %c0_i32 = arith.constant 0 : i32
    %c0_i32_0 = arith.constant 0 : i32
    return %arg0, %c0_i32 : i32, i32
  }
  func.func @transform_1(%arg0: i32, %arg1: i32) -> (i32, i32, i32) {
    %c0_i32 = arith.constant 0 : i32
    %c0_i32_0 = arith.constant 0 : i32
    %c0_i32_1 = arith.constant 0 : i32
    return %arg1, %c0_i32, %c0_i32_0 : i32, i32, i32
  }
  func.func @transform_2(%arg0: i32, %arg1: i32) -> (i32, i32, i32) {
    %c0_i32 = arith.constant 0 : i32
    %c0_i32_0 = arith.constant 0 : i32
    %c0_i32_1 = arith.constant 0 : i32
    return %arg1, %c0_i32, %c0_i32_0 : i32, i32, i32
  }
  func.func @transform_3(%arg0: i32, %arg1: i32) -> (i32, i32, i32) {
    %c0_i32 = arith.constant 0 : i32
    %c0_i32_0 = arith.constant 0 : i32
    %c0_i32_1 = arith.constant 0 : i32
    return %arg1, %c0_i32, %c0_i32_0 : i32, i32, i32
  }
  func.func @transform_4(%arg0: i32, %arg1: i32) -> (i32, i32, i32) {
    %c0_i32 = arith.constant 0 : i32
    %c0_i32_0 = arith.constant 0 : i32
    %c0_i32_1 = arith.constant 0 : i32
    return %arg1, %c0_i32, %c0_i32_0 : i32, i32, i32
  }
  func.func @transform_5(%arg0: i32, %arg1: i32) -> (i32, i32) {
    %c0_i32 = arith.constant 0 : i32
    %c0_i32_0 = arith.constant 0 : i32
    return %arg0, %c0_i32 : i32, i32
  }
  func.func @transform_6(%arg0: i32, %arg1: i32) -> (i32, i32) {
    %c0_i32 = arith.constant 0 : i32
    %c0_i32_0 = arith.constant 0 : i32
    return %arg0, %c0_i32 : i32, i32
  }
  func.func @transform_7(%arg0: i32, %arg1: i32) -> (i32, i32) {
    %c0_i32 = arith.constant 0 : i32
    %c0_i32_0 = arith.constant 0 : i32
    return %arg0, %c0_i32 : i32, i32
  }
}

</mosaic_0001>

<sc_bundles>
// kernel: kernel.5.cloned.1.call-start
scs
__scs_entry_jumppad:
0x0: {  	(pc) =	sbr.rel $0x88, $3  }
0x1: {  	(tag) =	ssettag $0x0;
	lr =	simm.s32 $0x1  }
0x2: {  	[smem:$0x3F9A] =	sst lr;
	_ =	strace $0xD0000000  }
0x3: {  	_ = 	snop  }
0x4: {  	_ = 	snop  }
0x5: {  	_ = 	snop  }
0x6: {  	_ = 	snop  }
0x7: {  	_ = 	snop  }
__scs_overlays_trampoline_lowered:
0x8: {  	[smem:$0x3FA9] =	sst s0  }
0x9: {  	[smem:$0x3FAA] =	sst s1  }
0xa: {  	[smem:$0x3FAB] =	sst s2  }
0xb: {  	[smem:$0x3FAC] =	sst s3  }
0xc: {  	[smem:$0x3FAD] =	sst s4  }
0xd: {  	[smem:$0x3FAE] =	sst s5  }
0xe: {  	[smem:$0x3FAF] =	sst s6  }
0xf: {  	[smem:$0x3FB0] =	sst s7  }
0x10: {  	[smem:$0x3FB1] =	sst s8  }
0x11: {  	[smem:$0x3FB2] =	sst s9;
	s0 =	simm.s32 @!p0 $0x0  }
0x12: {  	s1 =	sld [smem:$0x3F98];
	s0 =	simm.s32 @p0 $0x1  }
0x13: {  	[smem:$0x3FB3] =	sst s0;
	s0 =	simm.s32 @!p1 $0x0  }
0x14: {  	s2 =	sld [smem:$0x3F97];
	s0 =	simm.s32 @p1 $0x1  }
0x15: {  	[smem:$0x3FB4] =	sst s0;
	s0 =	simm.s32 @!p2 $0x0  }
0x16: {  	s3 =	sld [smem:$0x3FDB];
	s0 =	simm.s32 @p2 $0x1  }
0x17: {  	s4 =	simm.s32 $0x1BF5;
	[smem:$0x3FB6] =	sst s0  }
0x18: {  	s0 =	sld [smem:$0x3F99];
	_ =	swait.ge [sflag:s4], $0x0  }
0x19: {  	s7 =	sld [smem:$0x3F9A]  }
0x1a: {  	s8 =	sadd.s32 $0xFFFFE003, lr  }
0x1b: {  	s9 =	sadd.s32 $0xFFFFFEF7, lr;
	s5 =	simm.s32 $0xFFFFFFFF;
	p2 =	slt.u32 s8, $0xFFFFF086  }
0x1c: {  	p1 =	slt.u32 s9, $0xF7A;
	s5 =	simm.s32 @!p2 $0x0  }
0x1d: {  	s5 =	simm.s32 @p1 $0x1;
	p0 =	seq.s32 s7, s2  }
0x1e: {  	s7 =	smul.u32 @!p0 $0xF7A, s2;
	p2 =	seq.s32 @!p0 s5, $0x0  }
0x1f: {  	s9 =	smul.u32 $0xF7A, s1;
	s8 =	simm.s32 @!p0 $0x1BF5;
	p2 =	por !p2, p0  }
0x20: {  	[sflag:s8] =	ssyncset.s32 @!p0 $0xFFFFF086;
	s6 =	sadd.s32 @!p0 s3, s7;
	s7 =	simm.s32 @!p0 $0x108  }
0x21: {  	s3 =	sadd.s32 s3, s9;
	s6 =	sadd.s32 @!p0 $0x88, s6;
	s7 =	simm.s32 @p2 $0x1082  }
0x22: {  	[simem:s7], [sflag:s8] =	dma.local @!p0 [hbm:s6], $0xF7A  }
0x23: {  	s9 =	sor.u32 $0xD0000000, s2;
	s6 =	simm.s32 $0x108;
	_ =	swait.ge @!p0 [sflag:s8], $0x0  }
0x24: {  	s3 =	sadd.s32 $0x88, s3;
	s6 =	simm.s32 @!p1 $0x1082;
	[sflag:s4] =	ssyncset.s32 $0xFFFFF086  }
0x25: {  	[simem:s6], [sflag:s4] =	dma.local [hbm:s3], $0xF7A  }
0x26: {  	[smem:$0x3F9A] =	sst s1;
	(tag) =	ssettag s2;
	_ =	strace s9  }
0x27: {  	s1 =	sld [smem:$0x3FAA]  }
0x28: {  	s2 =	sld [smem:$0x3FAB]  }
0x29: {  	s4 =	sld [smem:$0x3FAD]  }
0x2a: {  	p0 =	seq.s32 s5, $0x0;
	s5 =	sld [smem:$0x3FAE]  }
0x2b: {  	s6 =	sld [smem:$0x3FAF]  }
0x2c: {  	s7 =	sld [smem:$0x3FB0]  }
0x2d: {  	s3 =	simm.s32 $0x108;
	s8 =	sld [smem:$0x3FB1]  }
0x2e: {  	s3 =	simm.s32 @!p0 $0x1082;
	s9 =	sld [smem:$0x3FB2]  }
0x2f: {  	lr =	sadd.s32 s0, s3;
	s0 =	sld [smem:$0x3FA9]  }
0x30: {  	s3 =	sld [smem:$0x3FAC]  }
0x31: {  	[smem:$0x3FB5] =	sst s10  }
0x32: {  	s10 =	sld [smem:$0x3FB3];
	_ =	sdelay $0x3  }
0x33: {  	p0 =	seq.s32 s10, $0x1;
	s10 =	sld [smem:$0x3FB5];
	_ =	sdelay $0x3  }
0x34: {  	[smem:$0x3FB5] =	sst s10  }
0x35: {  	s10 =	sld [smem:$0x3FB4];
	_ =	sdelay $0x3  }
0x36: {  	p1 =	seq.s32 s10, $0x1;
	s10 =	sld [smem:$0x3FB5];
	_ =	sdelay $0x3  }
0x37: {  	[smem:$0x3FB5] =	sst s10  }
0x38: {  	s10 =	sld [smem:$0x3FB6]  }
0x39: {  	_ = 	snop;
	(pc) =	sbr.ind lr, $3  }
0x3a: {  	_ = 	snop  }
0x3b: {  	_ = 	snop  }
0x3c: {  	p2 =	seq.s32 s10, $0x1;
	s10 =	sld [smem:$0x3FB5]  }
0x3d: {  	_ =	shalt  }
0x3e: {  	_ =	shalt  }
0x3f: {  	_ =	shalt  }
0x40: {  	_ =	shalt  }
0x41: {  	_ =	shalt  }
0x42: {  	_ =	shalt  }
0x43: {  	_ =	shalt  }
0x44: {  	_ =	shalt  }
0x45: {  	_ =	shalt  }
0x46: {  	_ =	shalt  }
0x47: {  	_ =	shalt  }
0x48: {  	_ =	shalt  }
0x49: {  	_ =	shalt  }
0x4a: {  	_ =	shalt  }
0x4b: {  	_ =	shalt  }
0x4c: {  	_ =	shalt  }
0x4d: {  	_ =	shalt  }
0x4e: {  	_ =	shalt  }
0x4f: {  	_ =	shalt  }
0x50: {  	_ =	shalt  }
0x51: {  	_ =	shalt  }
0x52: {  	_ =	shalt  }
0x53: {  	_ =	shalt  }
0x54: {  	_ =	shalt  }
0x55: {  	_ =	shalt  }
0x56: {  	_ =	shalt  }
0x57: {  	_ =	shalt  }
0x58: {  	_ =	shalt  }
0x59: {  	_ =	shalt  }
0x5a: {  	_ =	shalt  }
0x5b: {  	_ =	shalt  }
0x5c: {  	_ =	shalt  }
0x5d: {  	_ =	shalt  }
0x5e: {  	_ =	shalt  }
0x5f: {  	_ =	shalt  }
0x60: {  	_ =	shalt  }
0x61: {  	_ =	shalt  }
0x62: {  	_ =	shalt  }
0x63: {  	_ =	shalt  }
0x64: {  	_ =	shalt  }
0x65: {  	_ =	shalt  }
0x66: {  	_ =	shalt  }
0x67: {  	_ =	shalt  }
0x68: {  	_ =	shalt  }
0x69: {  	_ =	shalt  }
0x6a: {  	_ =	shalt  }
0x6b: {  	_ =	shalt  }
0x6c: {  	_ =	shalt  }
0x6d: {  	_ =	shalt  }
0x6e: {  	_ =	shalt  }
0x6f: {  	_ =	shalt  }
0x70: {  	_ =	shalt  }
0x71: {  	_ =	shalt  }
0x72: {  	_ =	shalt  }
0x73: {  	_ =	shalt  }
0x74: {  	_ =	shalt  }
0x75: {  	_ =	shalt  }
0x76: {  	_ =	shalt  }
0x77: {  	_ =	shalt  }
0x78: {  	_ =	shalt  }
0x79: {  	_ =	shalt  }
0x7a: {  	_ =	shalt  }
0x7b: {  	_ =	shalt  }
0x7c: {  	_ =	shalt  }
0x7d: {  	_ =	shalt  }
0x7e: {  	_ =	shalt  }
0x7f: {  	_ =	shalt  }
0x80: {  	_ =	shalt  }
0x81: {  	_ =	shalt  }
0x82: {  	_ =	shalt  }
0x83: {  	_ =	shalt  }
0x84: {  	_ =	shalt  }
0x85: {  	_ =	shalt  }
0x86: {  	_ =	shalt  }
0x87: {  	_ =	shalt  }
.Lfunc_end0:
.L_simem_size_0:
called_computation.1_lowered:
.L_overlay_start_0:
0x88: {  	s0 =	sld [smem:$0x3FD9]  }
0x89: {  	s1 =	sld [smem:$0x3FFE];
	_ =	sdelay $0x3  }
0x8a: {  	s0 =	sadd.s32 s1, s0  }
0x8b: {  	[smem:$0x3FC1] =	sst s0  }
0x8c: {  	_ = 	snop  }
0x8d: {  	s0 =	sld [smem:$0x3FD0];
	_ =	sdelay $0x2  }
0x8e: {  	s14 =	simm.s32 $0xB;
	s2 =	simm.s32 $0x10  }
0x8f: {  	[smem:s2], [sflag:s14] =	dma.local [hbm:s0], $0x1  }
0x90: {  	_ =	swait.eq [sflag:s14], $0x1  }
0x91: {  	[sflag:s14] =	ssyncset.done $0x0  }
0x92: {  	s15 =	sld [smem:$0x10];
	[sflag:s14] =	ssyncadd.s32 $0xFFFFFFFF  }
0x93: {  	s16 =	sld [smem:$0x11];
	(tm) =	ssettm $0x1  }
0x94: {  	s17 =	sld [smem:$0x3FFB];
	_ =	sdelay $0x3  }
0x95: {  	_ =	strace s17  }
0x96: {  	s2 =	sld [smem:$0x3FFC];
	_ =	sdelay $0x3  }
0x97: {  	_ =	strace s2  }
0x98: {  	s2 =	sld [smem:$0x3FFD];
	_ =	sdelay $0x3  }
0x99: {  	_ =	strace s2  }
0x9a: {  	_ =	strace $0x8FFFFFFF  }
0x9b: {  	s18 =	sld [smem:$0x3FDB];
	_ =	sdelay $0x1  }
0x9c: {  	s3 =	simm.s32 $_scs_section_size  }
0x9d: {  	s4 =	simm.s32 $_size__tile_overlayer_lowered;
	s5 =	simm.s32 $_tile_overlayer_lowered  }
0x9e: {  	s21 =	simm.s32 $0x1BFF;
	s20 =	sshll.u32 s5, $0x1;
	s2 =	sadd.s32 s3, s18  }
0x9f: {  	s6 =	simm.s32 $0x0;
	s19 =	sshll.u32 s4, $0x1;
	s4 =	sadd.s32 s20, s2  }
0xa0: {  	[timem:s6], [sflag:s21] =	dma.local [hbm:s4], s19  }
0xa1: {  	_ =	swait.ge [sflag:s21], s19  }
0xa2: {  	s3 =	ssub.s32 $0x0, s19;
	[sflag:s21] =	ssyncset.done $0x0  }
0xa3: {  	[sflag:s21] =	ssyncadd.s32 s3;
	_ =	sdelay $0x1  }
0xa4: {  	s22 =	simm.s32 $0x1B8B  }
0xa5: {  	_ =	swait.ge [sflag:s22], $0x1  }
0xa6: {  	[sflag:s22] =	ssyncset.done $0x0  }
0xa7: {  	s23 =	simm.s32 $0x1B8E;
	[sflag:s22] =	ssyncadd.s32 $0xFFFFFFFF  }
0xa8: {  	s24 =	simm.s32 $execute0_lowered;
	[smem:$0x3FD2] =	sst s23  }
0xa9: {  	s3 =	sshll.u32 s24, $0x1;
	_ =	strace $0x80000046;
	[dreg:$0x1] =	wrdreg $0xFFFFFFFF  }
0xaa: {  	s25 =	simm.s32 $_size_execute0_lowered;
	s2 =	sadd.s32 s2, s3;
	[dreg:$0x0] =	wrdreg $0x0  }
0xab: {  	s3 =	sshll.u32 s25, $0x1;
	[dreg:$0x2] =	wrdreg s2  }
0xac: {  	[dreg:$0x3] =	wrdreg s3  }
0xad: {  	[dreg:$0x4] =	wrdreg $0xC0  }
0xae: {  	_ =	task [dreg:s6], $0x5FFFF  }
0xaf: {  	[dreg:$0x1] =	wrdreg $0xFFFFFFFF  }
0xb0: {  	[dreg:$0x0] =	wrdreg $0x60  }
0xb1: {  	[dreg:$0x2] =	wrdreg s16  }
0xb2: {  	[dreg:$0x3] =	wrdreg s15  }
0xb3: {  	[dreg:$0x4] =	wrdreg $0x18800  }
0xb4: {  	[dreg:$0x5] =	wrdreg $0xA  }
0xb5: {  	_ =	task.clear_ibuf [dreg:s6], $0x6FFFF;
	_ =	strace $0x90000046  }
0xb6: {  	s26 =	simm.s32 $0xA;
	_ =	strace $0x80000048  }
0xb7: {  	_ =	swait.ge [sflag:s26], $0x1  }
0xb8: {  	[sflag:s26] =	ssyncadd.s32 $0xFFFFFFFF  }
0xb9: {  	_ =	strace $0x90000048  }
0xba: {  	_ =	sfence  }
0xbb: {  	s28 =	sld [smem:$0x0];
	_ =	sdelay $0x1  }
0xbc: {  	s29 =	srdreg.scid  }
0xbd: {  	s30 =	sshll.u32 s29, $0xD;
	s31 =	sshrl.u32 s29, $0x2  }
0xbe: {  	s1 =	sand.u32 $0x1, s29;
	s2 =	sand.u32 $0x4000, s30;
	s0 =	sadd.s32 s31, s28  }
0xbf: {  	s1 =	sor.u32 s2, s1;
	s0 =	sshll.u32 s0, $0x11  }
0xc0: {  	s0 =	sor.u32 s0, s1  }
0xc1: {  	s0 =	sadd.s32 $0x8F2B, s0  }
0xc2: {  	[sflag:s0] =	ssyncadd.remote.s32 $0x1  }
0xc3: {  	_ =	sfence.sel $0xFFFF  }
0xc4: {  	[dreg:$0x0] =	wrdreg $0xFFFFFFFF;
	(pc) =	sbr.abs _section_cstart, $3  }
0xc5: {  	[dreg:$0x1] =	wrdreg $0xFFFFFFFF  }
0xc6: {  	_ =	task.clear_ibuf [dreg:s6], $0x2FFFF;
	_ =	strace $0x9FFFFFFF  }
0xc7: {  	(tm) =	ssettm $0x7FFFFFFF  }
tec
execute0_lowered:
.L_overlay_start_1:
0x0: {  	(tag) =	ssettag $0x1  }
0x1: {  	s5 =	rddreg [dreg:$0x0]  }
0x2: {  	s2 =	rddreg [dreg:$0x1]  }
0x3: {  	s4 =	rddreg [dreg:$0x2]  }
0x4: {  	s0 =	rddreg [dreg:$0x3];
	s6 =	simm.s32 $0x0;
	s1 =	stileid.u32  }
0x5: {  	[smem:$0x7FF] =	sst s6;
	s3 =	sshll.u32 s1, $0x8  }
0x6: {  	s20 =	simm.s32 $0x1;
	_ =	strace $0x80000047;
	s5 =	sadd.s32 s5, s3  }
0x7: {  	[tilespmem:s6], [sflag:$0x1] =	stream.linear.gather [hbm4b:s5+s6], $0x800, $0x38;
	[tilespmem:$0x1890] =	vst v63  }
0x8: {  	_ =	swait.ge [sflag:s20], $0x800  }
0x9: {  	s7 =	sand.u32 $0x70, s6;
	s8 =	sand.u32 $0x400, s6;
	[sflag:s20] =	ssyncset.done $0x0  }
0xa: {  	s21 =	sor.u32 s7, s8;
	[sflag:s20] =	ssyncadd.s32 $0xFFFFF800  }
0xb: {  	v3 =	vld [tilespmem:s21+$0x0]  }
0xc: {  	v4 =	vld [tilespmem:s21+$0x80]  }
0xd: {  	v5 =	vld [tilespmem:s21+$0x100]  }
0xe: {  	v6 =	vld [tilespmem:s21+$0x180]  }
0xf: {  	v7 =	vld [tilespmem:s21+$0x200]  }
0x10: {  	s6 =	sor.u32 s6, s6;
	v8 =	vld [tilespmem:s21+$0x280]  }
0x11: {  	s22 =	sor.u32 $0x380, s6;
	v9 =	vld [tilespmem:s21+$0x300];
	v0 =	vmax.f32 v3, v4  }
0x12: {  	v10 =	vld [tilespmem:s22+$0x0];
	v0 =	vmax.f32 v0, v5  }
0x13: {  	v0 =	vmax.f32 v0, v6  }
0x14: {  	v0 =	vmax.f32 v0, v7  }
0x15: {  	v0 =	vmax.f32 v0, v8  }
0x16: {  	v0 =	vmax.f32 v0, v9  }
0x17: {  	v11 =	vmax.f32 v0, v10  }
0x18: {  	v2 =	vimm.f32 $0.0e+00;
	v1 =	vimm.s32 $0x7;
	vm0 =	veq.f32 v9, v11  }
0x19: {  	vm14 =	vmmov $0x1;
	v12 =	vsel vm0, $0x6, v1;
	vm0 =	veq.f32 v8, v11  }
0x1a: {  	v62 =	vimm.s32 $0x0;
	v12 =	vsel vm0, $0x5, v12;
	vm0 =	veq.f32 v7, v11  }
0x1b: {  	v63 =	vimm.s32 $0x0;
	vm1 =	veq.f32 v6, v11;
	v12 =	vsel vm0, $0x4, v12  }
0x1c: {  	s23 =	simm.s32 $0x10;
	s24 =	simm.s32 $0x80;
	v0 =	vimm.s32 $0x0;
	vm0 =	veq.f32 v5, v11;
	v12 =	vsel vm1, $0x3, v12  }
0x1d: {  	s25 =	sand.u32 $0x70, s23;
	s26 =	sand.u32 $0x400, s24;
	vm2 =	veq.f32 v4, v11;
	vm3 =	vne.f32 v3, v11;
	v12 =	vsel vm0, $0x2, v12  }
0x1e: {  	s7 =	sor.u32 s25, s26;
	vm3 =	vmand vm3, vm2;
	vm1 =	veq.f32 v3, v11;
	v11 =	vsel vm2, $0x1, v12  }
0x1f: {  	v13 =	vld [tilespmem:s7+$0x80];
	v4 =	vsel vm3, $0xBF800000, v4;
	v3 =	vsel vm1, $0xBF800000, v3;
	v11 =	vsel vm1, $0x0, v11  }
0x20: {  	v12 =	vld [tilespmem:s7+$0x0];
	v14 =	vmax.f32 v3, v4;
	vm4 =	veq.s32 v11, $0x2;
	vm5 =	veq.s32 v11, $0x3  }
0x21: {  	v15 =	vld [tilespmem:s7+$0x100];
	vm0 =	veq.s32 v11, $0x6;
	vm7 =	veq.s32 v11, $0x5;
	vm2 =	veq.s32 v11, $0x4  }
0x22: {  	v16 =	vld [tilespmem:s7+$0x180];
	vm6 =	veq.s32 v11, $0x7;
	v5 =	vsel vm4, $0xBF800000, v5;
	v6 =	vsel vm5, $0xBF800000, v6  }
0x23: {  	v17 =	vld [tilespmem:s7+$0x200];
	v8 =	vsel vm7, $0xBF800000, v8;
	v7 =	vsel vm2, $0xBF800000, v7;
	v14 =	vmax.f32 v14, v5  }
0x24: {  	s5 =	sor.u32 s24, s23;
	v18 =	vld [tilespmem:s7+$0x280];
	v9 =	vsel vm0, $0xBF800000, v9;
	v10 =	vsel vm6, $0xBF800000, v10;
	v14 =	vmax.f32 v14, v6  }
0x25: {  	s5 =	sor.u32 $0x380, s5;
	v19 =	vld [tilespmem:s7+$0x300];
	vm9 =	vmmov vm4;
	v20 =	vmax.f32 v12, v13;
	v14 =	vmax.f32 v14, v7  }
0x26: {  	vm4 =	vmmov vm5;
	v20 =	vmax.f32 v20, v15;
	v11 =	vmax.f32 v14, v8;
	v14 =	vld [tilespmem:s5+$0x0]  }
0x27: {  	vm8 =	vmmov vm7;
	v20 =	vmax.f32 v20, v16;
	v11 =	vmax.f32 v11, v9  }
0x28: {  	vm13 =	vmmov vm2;
	v10 =	vmax.f32 v11, v10;
	v11 =	vmax.f32 v20, v17  }
0x29: {  	vm0 =	vmmov vm0;
	vm6 =	vmmov vm6;
	v11 =	vmax.f32 v11, v18  }
0x2a: {  	vm5 =	veq.f32 v4, v10;
	vm10 =	vne.f32 v3, v10;
	v4 =	vmax.f32 v11, v19  }
0x2b: {  	vm11 =	veq.f32 v5, v10;
	vm7 =	vmand vm10, vm5;
	v4 =	vmax.f32 v4, v14  }
0x2c: {  	vm7 =	vmor vm3, vm7;
	vm3 =	veq.f32 v3, v10;
	vm10 =	veq.f32 v19, v4  }
0x2d: {  	v5 =	vsel vm7, $0x3F800000, v0;
	vm7 =	veq.f32 v17, v4;
	vm1 =	vmor vm1, vm3  }
0x2e: {  	vm12 =	veq.f32 v13, v4;
	v3 =	vsel vm10, $0x6, v1;
	vm10 =	veq.f32 v18, v4  }
0x2f: {  	v3 =	vsel vm10, $0x5, v3;
	vm10 =	veq.f32 v8, v10;
	v8 =	vsel vm1, $0x3F800000, v0  }
0x30: {  	vm1 =	veq.f32 v9, v10;
	v3 =	vsel vm7, $0x4, v3;
	vm7 =	veq.f32 v16, v4  }
0x31: {  	v3 =	vsel vm7, $0x3, v3;
	vm7 =	veq.f32 v6, v10;
	v6 =	vsel vm1, $0x6, v1  }
0x32: {  	vm1 =	veq.f32 v7, v10;
	v6 =	vsel vm10, $0x5, v6;
	vm10 =	veq.f32 v15, v4  }
0x33: {  	v3 =	vsel vm10, $0x2, v3;
	v6 =	vsel vm1, $0x4, v6;
	vm1 =	vne.f32 v12, v4  }
0x34: {  	v6 =	vsel vm7, $0x3, v6;
	vm7 =	veq.f32 v12, v4;
	vm10 =	vmand vm1, vm12  }
0x35: {  	v3 =	vsel vm12, $0x1, v3;
	v4 =	vsel vm7, $0xBF800000, v12;
	v7 =	vsel vm10, $0xBF800000, v13  }
0x36: {  	v6 =	vsel vm11, $0x2, v6;
	v3 =	vsel vm7, $0x0, v3;
	v9 =	vmax.f32 v4, v7  }
0x37: {  	v6 =	vsel vm5, $0x1, v6;
	vm2 =	veq.s32 v3, $0x2;
	vm1 =	veq.s32 v3, $0x3  }
0x38: {  	v6 =	vsel vm3, $0x0, v6;
	v10 =	vsel vm2, $0xBF800000, v15;
	v11 =	vsel vm1, $0xBF800000, v16  }
0x39: {  	s28 =	simm.s32 $0x20;
	s29 =	simm.s32 $0x100;
	vm3 =	veq.s32 v3, $0x6;
	vm5 =	veq.s32 v6, $0x3;
	v9 =	vmax.f32 v9, v10  }
0x3a: {  	s30 =	sand.u32 $0x70, s28;
	s31 =	sand.u32 $0x400, s29;
	v16 =	vsel vm3, $0xBF800000, v19;
	vm5 =	vmor vm4, vm5;
	vm4 =	veq.s32 v6, $0x4  }
0x3b: {  	s7 =	sor.u32 s30, s31;
	v9 =	vmax.f32 v9, v11;
	vm11 =	vmor vm13, vm4;
	vm4 =	veq.s32 v3, $0x5  }
0x3c: {  	v13 =	vld [tilespmem:s7+$0x0];
	v12 =	vsel vm5, $0x3F800000, v0;
	vm5 =	veq.s32 v3, $0x4;
	v15 =	vsel vm4, $0xBF800000, v18  }
0x3d: {  	v17 =	vsel vm5, $0xBF800000, v17;
	v18 =	vld [tilespmem:s7+$0x80];
	v19 =	vsel vm11, $0x3F800000, v0;
	vm11 =	veq.s32 v6, $0x5  }
0x3e: {  	v61 =	vld [tilespmem:s7+$0x100];
	v9 =	vmax.f32 v9, v17;
	vm11 =	vmor vm8, vm11;
	vm8 =	veq.s32 v3, $0x7  }
0x3f: {  	vm9 =	vmmov vm9;
	v3 =	vmax.f32 v9, v15;
	v9 =	vld [tilespmem:s7+$0x180];
	v14 =	vsel vm8, $0xBF800000, v14  }
0x40: {  	v21 =	vld [tilespmem:s7+$0x200];
	v22 =	vsel vm11, $0x3F800000, v0;
	vm11 =	veq.s32 v6, $0x6;
	v3 =	vmax.f32 v3, v16  }
0x41: {  	s5 =	sor.u32 s29, s28;
	vm2 =	vmmov vm2;
	vm11 =	vmor vm0, vm11;
	v3 =	vmax.f32 v3, v14;
	v14 =	vld [tilespmem:s7+$0x280]  }
0x42: {  	v23 =	vld [tilespmem:s7+$0x300];
	s5 =	sor.u32 $0x380, s5;
	(xrf2) =	vadd.scan.msk.f32 $0xffff, v8;
	vm15 =	vmmov vm1;
	v8 =	vsel vm11, $0x3F800000, v0;
	v24 =	vmax.f32 v13, v18  }
0x43: {  	v25 =	vld [tilespmem:s5+$0x0];
	vm11 =	veq.s32 v6, $0x7;
	vm0 =	veq.f32 v7, v3;
	v7 =	vmax.f32 v24, v61  }
0x44: {  	vm13 =	vmmov vm8;
	vm6 =	vmor vm6, vm11;
	v7 =	vmax.f32 v7, v9  }
0x45: {  	vm11 =	vne.f32 v4, v3;
	vm1 =	veq.f32 v17, v3;
	v7 =	vmax.f32 v7, v21  }
0x46: {  	(xrf2) =	vadd.scan.msk.f32 $0xffff, v5;
	v5 =	vsel vm6, $0x3F800000, v0;
	vm6 =	vmand vm11, vm0;
	v7 =	vmax.f32 v7, v14  }
0x47: {  	vm11 =	veq.s32 v6, $0x2;
	vm12 =	vmor vm10, vm6;
	v6 =	vmax.f32 v7, v23  }
0x48: {  	vm10 =	veq.f32 v15, v3;
	vm9 =	vmor vm9, vm11;
	v6 =	vmax.f32 v6, v25  }
0x49: {  	vm6 =	veq.f32 v4, v3;
	v4 =	vsel vm9, $0x3F800000, v0;
	vm9 =	veq.f32 v23, v6  }
0x4a: {  	vm7 =	vmor vm7, vm6;
	v15 =	vsel vm9, $0x6, v1;
	vm9 =	veq.f32 v14, v6  }
0x4b: {  	(xrf2) =	vadd.scan.msk.f32 $0xffff, v12;
	v7 =	vsel vm12, $0x3F800000, v0;
	v12 =	vsel vm9, $0x5, v15;
	vm9 =	veq.f32 v21, v6  }
0x4c: {  	vm12 =	vmmov vm3;
	vm11 =	veq.f32 v9, v6;
	v12 =	vsel vm9, $0x4, v12  }
0x4d: {  	vm9 =	veq.f32 v16, v3;
	v16 =	vsel vm7, $0x3F800000, v0;
	vm7 =	veq.f32 v61, v6  }
0x4e: {  	(xrf2) =	vadd.scan.msk.f32 $0xffff, v19;
	v12 =	vsel vm11, $0x3, v12;
	vm11 =	vcmask $0x1310;
	v19 =	vsel vm9, $0x6, v1  }
0x4f: {  	v15, _, _ =	vpop (xrf2);
	(xrf2) =	vadd.scan.msk.f32 $0xffff, v22;
	vm9 =	vne.f32 v13, v6;
	v22 =	vsel vm2, $0xFFFFFFFF, v62;
	vm2 =	vmmov vm5  }
0x50: {  	v15 =	vbroadcast v15, $0xF;
	v12 =	vsel vm7, $0x2, v12;
	vm7 =	veq.f32 v18, v6  }
0x51: {  	(xrf2) =	vadd.scan.msk.f32 $0xffff, v8;
	v8, _, _ =	vpop (xrf2);
	[tilespmem:$0x1FFD0] =	vst v22;
	v22 =	vsel vm14, $0xFFFFFFFF, v63;
	vm9 =	vmand vm9, vm7  }
0x52: {  	v12 =	vsel vm7, $0x1, v12;
	vm7 =	vcmask $0x1714;
	v8 =	vbroadcast v8, $0xF  }
0x53: {  	(xrf2) =	vadd.scan.msk.f32 $0xffff, v4;
	v4 =	vsel vm10, $0x5, v19;
	vm10 =	veq.f32 v13, v6;
	v15 =	vnsel vm14, $0x0, v15  }
0x54: {  	v4 =	vsel vm1, $0x4, v4;
	vm1 =	veq.f32 v11, v3;
	v2 =	vadd.f32 v15, v2  }
0x55: {  	v4 =	vsel vm1, $0x3, v4;
	vm1 =	veq.f32 v10, v3;
	v3 =	vimm.s32 $0x0  }
0x56: {  	vm14 =	vmmov vm4;
	v3 =	vsel vm2, $0xFFFFFFFF, v3;
	vm2 =	vcmask $0x704  }
0x57: {  	v4 =	vsel vm1, $0x2, v4;
	vm1 =	vcmask $0xF0C;
	[tilespmem:$0x1FFF0] =	vst v3;
	v3 =	vnsel vm2, $0x0, v8;
	v8, _, _ =	vpop (xrf2)  }
0x58: {  	(xrf2) =	vadd.scan.msk.f32 $0xffff, v5;
	v4 =	vsel vm0, $0x1, v4;
	v15 =	vadd.f32 v3, v2;
	v3 =	vbroadcast v8, $0xF  }
0x59: {  	vm0 =	vcmask $0xB08;
	v10 =	vsel vm6, $0x0, v4;
	vm6 =	vcmask $0x1B18;
	v2, _, _ =	vpop (xrf2);
	(xrf2) =	vadd.scan.msk.f32 $0xffff, v16  }
0x5a: {  	v16 =	vsel vm10, $0x0, v12;
	v5 =	vbroadcast v2, $0xF;
	v6 =	vnsel vm1, $0x0, v3  }
0x5b: {  	v2 =	vsel vm10, $0xBF800000, v13;
	v3 =	vsel vm9, $0xBF800000, v18;
	vm5 =	veq.s32 v16, $0x2;
	v8, _, _ =	vpop (xrf2);
	(xrf2) =	vadd.scan.msk.f32 $0xffff, v7  }
0x5c: {  	vm3 =	veq.s32 v16, $0x3;
	vm4 =	veq.s32 v16, $0x5;
	v13 =	vmax.f32 v2, v3;
	v18, _, _ =	vpop (xrf2)  }
0x5d: {  	v7 =	vsel vm5, $0xBF800000, v61;
	v11 =	vnsel vm11, $0x0, v5;
	v4 =	vbroadcast v8, $0xF;
	v8, _, _ =	vpop (xrf2)  }
0x5e: {  	v5 =	vsel vm3, $0xBF800000, v9;
	v9 =	vmax.f32 v13, v7;
	v8 =	vbroadcast v8, $0xF  }
0x5f: {  	vm2 =	veq.s32 v16, $0x6;
	vm1 =	veq.s32 v16, $0x7;
	v13 =	vmax.f32 v9, v5  }
0x60: {  	v12 =	vnsel vm7, $0x0, v4;
	v4 =	vnsel vm0, $0x0, v8;
	vm0 =	veq.s32 v16, $0x4  }
0x61: {  	v9 =	vsel vm4, $0xBF800000, v14;
	v14 =	vadd.f32 v4, v15;
	v8 =	vsel vm0, $0xBF800000, v21  }
0x62: {  	v18 =	vbroadcast v18, $0xF;
	v16 =	vsel vm1, $0xBF800000, v25;
	v19, _, _ =	vpop (xrf2);
	v13 =	vmax.f32 v13, v8  }
0x63: {  	v4 =	vsel vm2, $0xBF800000, v23;
	v15, _, _ =	vpop (xrf2);
	v17 =	vadd.f32 v14, v6;
	v6 =	vmax.f32 v13, v9  }
0x64: {  	v14 =	vbroadcast v19, $0xF;
	v15 =	vbroadcast v15, $0xF;
	v6 =	vmax.f32 v6, v4  }
0x65: {  	s5 =	simm.s32 $0x180;
	s7 =	simm.s32 $0x30;
	[tilespmem:$0x1FFE0] =	vst v22;
	v6 =	vmax.f32 v6, v16;
	v13, _, _ =	vpop (xrf2);
	v16 =	vnsel vm6, $0x0, v18;
	vm6 =	veq.s32 v10, $0x5  }
.LBB2_1:
0x66: {  	v11 =	vadd.f32 v17, v11;
	v17 =	vld [tilespmem:$0x1FFD0];
	_ =	sdelay $0x2  }
0x67: {  	v18 =	vimm.s32 $0x0  }
0x68: {  	v18 =	vsel vm9, $0xFFFFFFFF, v18  }
0x69: {  	vm9 =	vmmov vm13;
	vm13 =	vmmov vm12;
	vm12 =	vnez.u8 v17  }
0x6a: {  	v17 =	vimm.s32 $0x0;
	vm8 =	vmmov vm12  }
0x6b: {  	v17 =	vsel vm8, $0xFFFFFFFF, v17  }
0x6c: {  	vm12 =	vmmov vm5;
	[tilespmem:$0x1FFC0] =	vst v17;
	v17 =	vimm.s32 $0x0  }
0x6d: {  	v17 =	vsel vm12, $0xFFFFFFFF, v17  }
0x6e: {  	[tilespmem:$0x1FFD0] =	vst v17;
	v17 =	vld [tilespmem:$0x1FFE0];
	_ =	sdelay $0x4  }
0x6f: {  	v11 =	vadd.f32 v11, v12;
	vm5 =	vnez.u8 v17;
	v17 =	vld [tilespmem:$0x1FFF0]  }
0x70: {  	s8 =	sand.u32 $0x70, s7;
	s9 =	sand.u32 $0x400, s5;
	vm7 =	veq.s32 v10, $0x3;
	vm11 =	veq.s32 v10, $0x4;
	v13 =	vbroadcast v13, $0xF  }
0x71: {  	s8 =	sor.u32 s8, s9;
	v11 =	vadd.f32 v11, v16;
	v15 =	vnsel vm5, $0x0, v15;
	vm5 =	vmor vm15, vm7  }
0x72: {  	[tilespmem:$0x1FFB0] =	vst v18;
	v12 =	vld [tilespmem:s8+$0x0];
	v18 =	vsel vm5, $0x3F800000, v0;
	vm5 =	vmor vm14, vm6;
	vm6 =	veq.s32 v10, $0x6  }
0x73: {  	(xrf2) =	vadd.scan.msk.f32 $0xffff, v18;
	v18 =	vld [tilespmem:s8+$0x80];
	v20 =	vsel vm5, $0x3F800000, v0;
	vm5 =	vmor vm13, vm6;
	vm6 =	vcmask $0x1F1C  }
0x74: {  	vm12 =	vmmov vm2;
	v14 =	vnsel vm6, $0x0, v14;
	vm7 =	vnez.u8 v17;
	v17 =	vld [tilespmem:s8+$0x100]  }
0x75: {  	v22 =	vld [tilespmem:s8+$0x180];
	vm2 =	vmmov vm0;
	vm0 =	vcmask $0x704;
	v11 =	vadd.f32 v11, v14  }
0x76: {  	v16 =	vld [tilespmem:s8+$0x200];
	vm7 =	vmor vm7, vm11;
	vm11 =	veq.f32 v7, v6;
	v7 =	vimm.s32 $0x0  }
0x77: {  	v14 =	vld [tilespmem:s8+$0x280];
	v19 =	vsel vm7, $0x3F800000, v0;
	vm7 =	veq.s32 v10, $0x7;
	v7 =	vsel vm2, $0xFFFFFFFF, v7  }
0x78: {  	v21 =	vsel vm5, $0x3F800000, v0;
	vm5 =	vmor vm9, vm7;
	[tilespmem:$0x1FFF0] =	vst v7;
	v7 =	vmax.f32 v12, v18  }
0x79: {  	vm7 =	veq.f32 v3, v6;
	v3 =	vnsel vm0, $0x0, v13;
	v7 =	vmax.f32 v7, v17  }
0x7a: {  	vm0 =	veq.f32 v9, v6;
	v9 =	vadd.f32 v15, v11;
	v7 =	vmax.f32 v7, v22  }
0x7b: {  	vm15 =	vmmov vm3;
	v7 =	vmax.f32 v7, v16  }
0x7c: {  	vm3 =	veq.s32 v10, $0x2;
	v10 =	vadd.f32 v3, v9;
	v3 =	vmax.f32 v7, v14;
	v7 =	vld [tilespmem:$0x1FFB0]  }
0x7d: {  	s10 =	smov.u32 s7;
	(xrf2) =	vadd.scan.msk.f32 $0xffff, v19  }
0x7e: {  	s31 =	sor.u32 s5, s10  }
0x7f: {  	s6 =	sadd.s32 $0x10, s7;
	p0 =	sne.s32 s7, $0xF0;
	s7 =	sor.u32 $0x380, s31;
	v19 =	vld [tilespmem:s8+$0x300]  }
0x80: {  	v13 =	vld [tilespmem:s7+$0x0]  }
0x81: {  	vm14 =	vmmov vm4;
	vm4 =	vnez.u8 v7;
	v7 =	vld [tilespmem:$0x1FFC0];
	_ =	sdelay $0x1  }
0x82: {  	vm8 =	veq.f32 v2, v6;
	vm13 =	vmmov vm1;
	vm1 =	veq.f32 v8, v6;
	(xrf2) =	vadd.scan.msk.f32 $0xffff, v20  }
0x83: {  	vm6 =	veq.f32 v5, v6;
	vm2 =	vne.f32 v2, v6;
	v23 =	vsel vm5, $0x3F800000, v0;
	v5, _, _ =	vpop (xrf2)  }
0x84: {  	vm2 =	vmand vm2, vm7;
	v3 =	vmax.f32 v3, v19;
	v5 =	vbroadcast v5, $0xF  }
0x85: {  	v3 =	vmax.f32 v3, v13;
	vm4 =	vmor vm4, vm2;
	vm2 =	vnez.u8 v7  }
0x86: {  	vm5 =	veq.f32 v16, v3;
	vm9 =	vne.f32 v12, v3;
	v2, _, _ =	vpop (xrf2);
	vm2 =	vmor vm2, vm3  }
0x87: {  	(xrf2) =	vadd.scan.msk.f32 $0xffff, v21;
	v9 =	vbroadcast v2, $0xF;
	v7 =	vsel vm4, $0x3F800000, v0;
	v8 =	vsel vm2, $0x3F800000, v0  }
0x88: {  	vm4 =	vmor vm10, vm8;
	vm10 =	vcmask $0xF0C;
	vm3 =	veq.f32 v19, v3;
	(xrf2) =	vadd.scan.msk.f32 $0xffff, v8  }
0x89: {  	v61 =	vnsel vm10, $0x0, v5;
	v8 =	vsel vm3, $0x6, v1;
	vm3 =	veq.f32 v14, v3  }
0x8a: {  	vm10 =	veq.f32 v12, v3;
	vm2 =	veq.f32 v18, v3;
	v8 =	vsel vm3, $0x5, v8  }
0x8b: {  	vm9 =	vmand vm9, vm2;
	vm3 =	veq.f32 v22, v3;
	v2 =	vsel vm5, $0x4, v8  }
0x8c: {  	v15, _, _ =	vpop (xrf2);
	(xrf2) =	vadd.scan.msk.f32 $0xffff, v23;
	vm5 =	veq.f32 v17, v3;
	v3 =	vsel vm4, $0x3F800000, v0;
	v5 =	vsel vm3, $0x3, v2  }
0x8d: {  	v2 =	vsel vm10, $0xBF800000, v12;
	vm3 =	veq.f32 v4, v6;
	(xrf2) =	vadd.scan.msk.f32 $0xffff, v3;
	v3 =	vsel vm9, $0xBF800000, v18  }
0x8e: {  	v4 =	vsel vm5, $0x2, v5;
	v5 =	vsel vm3, $0x6, v1;
	v8 =	vmax.f32 v2, v3  }
0x8f: {  	v4 =	vsel vm2, $0x1, v4;
	v5 =	vsel vm0, $0x5, v5;
	vm0 =	vcmask $0x1310  }
0x90: {  	v18 =	vsel vm10, $0x0, v4;
	v62 =	vsel vm1, $0x4, v5;
	v11 =	vnsel vm0, $0x0, v9  }
0x91: {  	v6, _, _ =	vpop (xrf2);
	v4 =	vbroadcast v15, $0xF;
	vm0 =	vcmask $0x1714;
	vm5 =	veq.s32 v18, $0x2  }
0x92: {  	(xrf2) =	vadd.scan.msk.f32 $0xffff, v7;
	vm3 =	veq.s32 v18, $0x3;
	vm2 =	veq.s32 v18, $0x6;
	vm4 =	veq.s32 v18, $0x5;
	v9, _, _ =	vpop (xrf2)  }
0x93: {  	v7 =	vsel vm5, $0xBF800000, v17;
	v5 =	vsel vm3, $0xBF800000, v22;
	v9 =	vbroadcast v9, $0xF  }
0x94: {  	v12 =	vnsel vm0, $0x0, v4;
	vm0 =	vcmask $0xB08;
	v8 =	vmax.f32 v8, v7  }
0x95: {  	vm1 =	veq.s32 v18, $0x7;
	v15 =	vmax.f32 v8, v5;
	v4 =	vnsel vm0, $0x0, v9  }
0x96: {  	vm0 =	veq.s32 v18, $0x4;
	v9 =	vsel vm4, $0xBF800000, v14;
	v14 =	vsel vm6, $0x3, v62  }
0x97: {  	v63, _, _ =	vpop (xrf2);
	v18 =	vbroadcast v6, $0xF;
	v10 =	vadd.f32 v4, v10;
	v4 =	vsel vm2, $0xBF800000, v19  }
.Ltmp0:
0x98: {  	v8 =	vsel vm0, $0xBF800000, v16;
	v16 =	vsel vm1, $0xBF800000, v13;
	v13, _, _ =	vpop (xrf2);
	v14 =	vsel vm11, $0x2, v14;
	(pc) =	sbr.rel @p0 .LBB2_1-.Ltmp0, $4  }
0x99: {  	v17 =	vadd.f32 v10, v61;
	v10 =	vmax.f32 v15, v8;
	v15 =	vbroadcast v13, $0xF  }
0x9a: {  	v6 =	vmax.f32 v10, v9;
	v10 =	vsel vm7, $0x1, v14;
	v14 =	vbroadcast v63, $0xF  }
0x9b: {  	vm7 =	vcmask $0x1B18;
	v6 =	vmax.f32 v6, v4;
	v10 =	vsel vm8, $0x0, v10  }
0x9c: {  	s5 =	sadd.s32 $0x80, s5;
	s7 =	smov.u32 s6;
	v13, _, _ =	vpop (xrf2);
	v6 =	vmax.f32 v6, v16;
	vm6 =	veq.s32 v10, $0x5;
	v16 =	vnsel vm7, $0x0, v18  }
0x9d: {  	vm7 =	veq.s32 v10, $0x3;
	vm8 =	veq.s32 v10, $0x4;
	v18 =	vld [tilespmem:$0x1FFF0]  }
0x9e: {  	vm6 =	vmor vm14, vm6;
	vm14 =	veq.f32 v4, v6;
	v35 =	vadd.f32 v17, v11  }
0x9f: {  	v32 =	vld [tilespmem:$0x1FFD0];
	vm3 =	vmmov vm3;
	vm0 =	vmmov vm0;
	v41 =	vbroadcast v13, $0xF  }
0xa0: {  	vm4 =	vmmov vm4;
	vm2 =	vmmov vm2;
	vm7 =	vmor vm15, vm7  }
0xa1: {  	v20 =	vsel vm6, $0x3F800000, v0;
	vm15 =	veq.s32 v10, $0x7;
	v1 =	vsel vm14, $0x6, v1  }
0xa2: {  	vm14 =	veq.f32 v5, v6;
	v31 =	vsel vm7, $0x3F800000, v0;
	vm11 =	vnez.u8 v18  }
0xa3: {  	vm6 =	vmor vm13, vm15;
	vm8 =	vmor vm11, vm8;
	vm11 =	veq.s32 v10, $0x6  }
0xa4: {  	(xrf2) =	vadd.scan.msk.f32 $0xffff, v31;
	v19 =	vsel vm8, $0x3F800000, v0;
	vm7 =	vmor vm12, vm11;
	vm11 =	vnez.u8 v32  }
0xa5: {  	vm12 =	veq.s32 v10, $0x2;
	v21 =	vsel vm7, $0x3F800000, v0;
	vm7 =	vmmov vm11;
	(xrf2) =	vadd.scan.msk.f32 $0xffff, v19  }
0xa6: {  	vm15 =	veq.f32 v9, v6;
	v33 =	vsel vm6, $0x3F800000, v0;
	vm13 =	vmor vm7, vm12;
	(xrf2) =	vadd.scan.msk.f32 $0xffff, v20  }
0xa7: {  	v1 =	vsel vm15, $0x5, v1;
	vm11 =	veq.f32 v8, v6;
	v34 =	vsel vm13, $0x3F800000, v0;
	(xrf2) =	vadd.scan.msk.f32 $0xffff, v21  }
0xa8: {  	v1 =	vsel vm11, $0x4, v1;
	vm12 =	veq.f32 v3, v6;
	v3 =	vadd.f32 v35, v12;
	(xrf2) =	vadd.scan.msk.f32 $0xffff, v34  }
0xa9: {  	vm15 =	veq.f32 v7, v6;
	vm13 =	vne.f32 v2, v6;
	v1 =	vsel vm14, $0x3, v1  }
0xaa: {  	vm7 =	vmand vm13, vm12;
	v1 =	vsel vm15, $0x2, v1;
	v3 =	vadd.f32 v3, v16  }
0xab: {  	v40 =	vld [tilespmem:$0x1FFE0];
	vm15 =	vmmov vm5;
	vm5 =	vcmask $0xB08;
	vm7 =	vmor vm9, vm7  }
0xac: {  	v1 =	vsel vm12, $0x1, v1;
	vm9 =	veq.f32 v2, v6;
	v36 =	vsel vm7, $0x3F800000, v0  }
0xad: {  	vm11 =	vmor vm10, vm9;
	v1 =	vsel vm9, $0x0, v1;
	vm9 =	vcmask $0x1F1C  }
0xae: {  	v2, _, _ =	vpop (xrf2);
	v37 =	vsel vm11, $0x3F800000, v0;
	vm6 =	veq.s32 v1, $0x3;
	vm12 =	veq.s32 v1, $0x4  }
0xaf: {  	v38 =	vnsel vm9, $0x0, v14;
	vm13 =	veq.s32 v1, $0x5;
	v2 =	vbroadcast v2, $0xF;
	v39, _, _ =	vpop (xrf2)  }
0xb0: {  	vm3 =	vmor vm3, vm6;
	vm6 =	vnez.u8 v40;
	v3 =	vadd.f32 v3, v38;
	v42, _, _ =	vpop (xrf2)  }
0xb1: {  	vm8 =	veq.s32 v1, $0x6;
	vm10 =	veq.s32 v1, $0x2;
	v8 =	vnsel vm6, $0x0, v15;
	v43, _, _ =	vpop (xrf2)  }
0xb2: {  	vm14 =	vmor vm4, vm13;
	vm4 =	vcmask $0x704;
	v3 =	vadd.f32 v8, v3;
	v46, _, _ =	vpop (xrf2)  }
0xb3: {  	(xrf2) =	vadd.scan.msk.f32 $0xffff, v33;
	vm0 =	vmor vm0, vm12;
	v9 =	vnsel vm4, $0x0, v41;
	v47 =	vbroadcast v46, $0xF  }
0xb4: {  	v44 =	vsel vm3, $0x3F800000, v0;
	v45 =	vsel vm0, $0x3F800000, v0;
	(xrf2) =	vadd.scan.msk.f32 $0xffff, v37;
	v3 =	vadd.f32 v9, v3  }
0xb5: {  	v49 =	vsel vm14, $0x3F800000, v0;
	vm3 =	vmmov vm15;
	(xrf2) =	vadd.scan.msk.f32 $0xffff, v36;
	v48 =	vnsel vm5, $0x0, v47  }
0xb6: {  	vm0 =	vmor vm2, vm8;
	vm2 =	vcmask $0xF0C;
	(xrf2) =	vadd.scan.msk.f32 $0xffff, v44;
	v3 =	vadd.f32 v48, v3  }
0xb7: {  	v50 =	vsel vm0, $0x3F800000, v0;
	v2 =	vnsel vm2, $0x0, v2;
	v51 =	vbroadcast v39, $0xF;
	(xrf2) =	vadd.scan.msk.f32 $0xffff, v45  }
0xb8: {  	vm11 =	vmor vm3, vm10;
	vm3 =	vcmask $0x1310;
	(xrf2) =	vadd.scan.msk.f32 $0xffff, v49;
	v2 =	vadd.f32 v3, v2  }
0xb9: {  	v52 =	vsel vm11, $0x3F800000, v0;
	v53 =	vbroadcast v42, $0xF;
	(xrf2) =	vadd.scan.msk.f32 $0xffff, v50;
	v3 =	vnsel vm3, $0x0, v51  }
0xba: {  	vm12 =	vcmask $0x1714;
	(xrf2) =	vadd.scan.msk.f32 $0xffff, v52;
	v2 =	vadd.f32 v2, v3  }
0xbb: {  	v55 =	vbroadcast v43, $0xF;
	v3 =	vnsel vm12, $0x0, v53  }
0xbc: {  	vm13 =	vcmask $0x1B18;
	v2 =	vadd.f32 v2, v3  }
0xbd: {  	v54, _, _ =	vpop (xrf2);
	v5 =	vnsel vm13, $0x0, v55  }
0xbe: {  	v56, _, _ =	vpop (xrf2);
	v2 =	vadd.f32 v2, v5  }
0xbf: {  	vm14 =	vmmov vm1;
	vm15 =	veq.s32 v1, $0x7;
	v4 =	vbroadcast v54, $0xF;
	v3, _, _ =	vpop (xrf2)  }
0xc0: {  	vm0 =	vmor vm14, vm15;
	v57, _, _ =	vpop (xrf2)  }
0xc1: {  	v0 =	vsel vm0, $0x3F800000, v0;
	v1 =	vnsel vm9, $0x0, v4;
	v6 =	vbroadcast v56, $0xF;
	v58, _, _ =	vpop (xrf2)  }
0xc2: {  	v1 =	vadd.f32 v2, v1;
	v2, _, _ =	vpop (xrf2)  }
0xc3: {  	v6 =	vnsel vm6, $0x0, v6;
	v3 =	vbroadcast v3, $0xF;
	v59, _, _ =	vpop (xrf2)  }
0xc4: {  	v1 =	vadd.f32 v6, v1;
	(xrf2) =	vadd.scan.msk.f32 $0xffff, v0;
	v0, _, _ =	vpop (xrf2)  }
0xc5: {  	v3 =	vnsel vm4, $0x0, v3;
	v0 =	vbroadcast v0, $0xF  }
0xc6: {  	v1 =	vadd.f32 v3, v1  }
0xc7: {  	v3 =	vbroadcast v57, $0xF;
	v0 =	vnsel vm5, $0x0, v0  }
0xc8: {  	v0 =	vadd.f32 v0, v1  }
0xc9: {  	v1 =	vnsel vm2, $0x0, v3;
	v3 =	vbroadcast v58, $0xF  }
0xca: {  	v0 =	vadd.f32 v0, v1  }
0xcb: {  	v2 =	vbroadcast v2, $0xF;
	v1 =	vnsel vm3, $0x0, v3  }
0xcc: {  	v0 =	vadd.f32 v0, v1  }
0xcd: {  	v1 =	vnsel vm12, $0x0, v2;
	v2 =	vbroadcast v59, $0xF  }
0xce: {  	v3, _, _ =	vpop (xrf2);
	v0 =	vadd.f32 v0, v1  }
0xcf: {  	v1 =	vnsel vm13, $0x0, v2;
	v2 =	vbroadcast v3, $0xF  }
0xd0: {  	v0 =	vadd.f32 v0, v1  }
0xd1: {  	v1 =	vnsel vm9, $0x0, v2  }
0xd2: {  	v0 =	vadd.f32 v0, v1  }
0xd3: {  	s5 =	sshll.u32 s1, $0x7  }
0xd4: {  	s6 =	simm.s32 $0x1000;
	s30 =	simm.s32 $0x1;
	s5 =	sadd.s32 s5, s4;
	[tilespmem:$0x1000] =	vst v0  }
0xd5: {  	[spmem:s5] =	stream.linear.scatter [tilespmem:s6], [sflag:$0x1], $0x80, $0x38;
	[tilespmem:$0x1890] =	vst v63  }
0xd6: {  	_ =	swait.ge [sflag:s30], $0x80  }
0xd7: {  	[sflag:s30] =	ssyncset.done $0x0  }
0xd8: {  	[sflag:s30] =	ssyncadd.s32 $0xFFFFFF80  }
0xd9: {  	s31 =	simm.s32 $0x1080;
	[bflag:$0x0] =	sbarrier.arrive $0xFFFF  }
0xda: {  	[tilespmem:s31], [sflag:$0x1] =	stream.linear.gather [spmem:s4], $0x800, $0x38;
	[tilespmem:$0x1890] =	vst v63  }
0xdb: {  	_ =	swait.ge [sflag:s30], $0x800  }
0xdc: {  	[sflag:s30] =	ssyncset.done $0x0  }
0xdd: {  	[sflag:s30] =	ssyncadd.s32 $0xFFFFF800  }
0xde: {  	v0 =	vld [tilespmem:$0x1080];
	_ =	sdelay $0x1  }
0xdf: {  	v1 =	vld [tilespmem:$0x1100]  }
0xe0: {  	p0 =	seq.s32 s1, $0x0;
	s4 =	simm.f32 $0.0e+00  }
0xe1: {  	s4 =	simm.s32 @!p0 $0x3F800000;
	v2 =	vld [tilespmem:$0x1180]  }
0xe2: {  	s5 =	simm.f32 $1.000000000e+00;
	p0 =	sgt.u32 s1, $0x1;
	v0 =	vmul.f32 s4, v0  }
0xe3: {  	s5 =	simm.s32 @!p0 $0x0;
	v3 =	vld [tilespmem:$0x1200]  }
0xe4: {  	p0 =	sgt.u32 s1, $0x2;
	s4 =	simm.f32 $1.000000000e+00;
	v1 =	vmul.f32 s5, v1;
	v0 =	vadd.f32 $0.0e+00, v0  }
0xe5: {  	v60 =	vld [tilespmem:$0x1280];
	s4 =	simm.s32 @!p0 $0x0  }
0xe6: {  	s5 =	simm.f32 $1.000000000e+00;
	p0 =	sgt.u32 s1, $0x3;
	v0 =	vadd.f32 v1, v0;
	v1 =	vmul.f32 s4, v2  }
0xe7: {  	s5 =	simm.s32 @!p0 $0x0;
	v2 =	vld [tilespmem:$0x1300]  }
0xe8: {  	p0 =	sgt.u32 s1, $0x4;
	s4 =	simm.f32 $1.000000000e+00;
	v0 =	vadd.f32 v1, v0;
	v1 =	vmul.f32 s5, v3  }
0xe9: {  	s4 =	simm.s32 @!p0 $0x0;
	v3 =	vld [tilespmem:$0x1380]  }
0xea: {  	p0 =	sgt.u32 s1, $0x5;
	s5 =	simm.f32 $1.000000000e+00;
	v0 =	vadd.f32 v1, v0;
	v1 =	vmul.f32 s4, v60  }
0xeb: {  	v61 =	vld [tilespmem:$0x1400];
	s5 =	simm.s32 @!p0 $0x0  }
0xec: {  	p0 =	sgt.u32 s1, $0x6;
	s4 =	simm.f32 $1.000000000e+00;
	v0 =	vadd.f32 v1, v0;
	v1 =	vmul.f32 s5, v2  }
0xed: {  	s4 =	simm.s32 @!p0 $0x0;
	v2 =	vld [tilespmem:$0x1480]  }
0xee: {  	p0 =	sgt.u32 s1, $0x7;
	s5 =	simm.f32 $1.000000000e+00;
	v0 =	vadd.f32 v1, v0;
	v1 =	vmul.f32 s4, v3  }
0xef: {  	s5 =	simm.s32 @!p0 $0x0;
	v3 =	vld [tilespmem:$0x1500]  }
0xf0: {  	p0 =	sgt.u32 s1, $0x8;
	s4 =	simm.f32 $1.000000000e+00;
	v0 =	vadd.f32 v1, v0;
	v1 =	vmul.f32 s5, v61  }
0xf1: {  	v62 =	vld [tilespmem:$0x1580];
	s4 =	simm.s32 @!p0 $0x0  }
0xf2: {  	p0 =	sgt.u32 s1, $0x9;
	s5 =	simm.f32 $1.000000000e+00;
	v0 =	vadd.f32 v1, v0;
	v1 =	vmul.f32 s4, v2  }
0xf3: {  	s5 =	simm.s32 @!p0 $0x0;
	v2 =	vld [tilespmem:$0x1600]  }
0xf4: {  	p0 =	sgt.u32 s1, $0xA;
	s4 =	simm.f32 $1.000000000e+00;
	v0 =	vadd.f32 v1, v0;
	v1 =	vmul.f32 s5, v3  }
0xf5: {  	s4 =	simm.s32 @!p0 $0x0;
	v3 =	vld [tilespmem:$0x1680]  }
0xf6: {  	p0 =	sgt.u32 s1, $0xB;
	s5 =	simm.f32 $1.000000000e+00;
	v0 =	vadd.f32 v1, v0;
	v1 =	vmul.f32 s4, v62  }
0xf7: {  	v63 =	vld [tilespmem:$0x1700];
	s5 =	simm.s32 @!p0 $0x0  }
0xf8: {  	p0 =	sgt.u32 s1, $0xC;
	s4 =	simm.f32 $1.000000000e+00;
	v0 =	vadd.f32 v1, v0;
	v1 =	vmul.f32 s5, v2  }
0xf9: {  	s4 =	simm.s32 @!p0 $0x0;
	v2 =	vld [tilespmem:$0x1780]  }
0xfa: {  	p0 =	sgt.u32 s1, $0xD;
	s5 =	simm.f32 $1.000000000e+00;
	v0 =	vadd.f32 v1, v0;
	v1 =	vmul.f32 s4, v3  }
0xfb: {  	s5 =	simm.s32 @!p0 $0x0;
	v3 =	vld [tilespmem:$0x1800]  }
0xfc: {  	p0 =	seq.s32 s1, $0xF;
	s4 =	simm.f32 $1.000000000e+00;
	v0 =	vadd.f32 v1, v0;
	v1 =	vmul.f32 s5, v63  }
0xfd: {  	s4 =	simm.s32 @!p0 $0x0  }
0xfe: {  	v0 =	vadd.f32 v1, v0;
	v1 =	vmul.f32 s4, v2;
	_ =	sdelay $0x1  }
0xff: {  	v0 =	vadd.f32 v1, v0;
	v1 =	vmul.f32 $0.0e+00, v3;
	_ =	sdelay $0x1  }
0x100: {  	v0 =	vadd.f32 v1, v0;
	_ =	sdelay $0x1  }
0x101: {  	vm9 =	vcmask $0x308;
	v1 =	vnsel vm6, $0x0, v0  }
0x102: {  	vm10 =	vcmask $0x70C;
	(xrf2) =	vadd.scan.msk.f32 $0xffff, v1;
	v1 =	vsel vm9, $0x0, v0  }
0x103: {  	vm11 =	vcmask $0xB10;
	(xrf2) =	vadd.scan.msk.f32 $0xffff, v1;
	v1 =	vsel vm10, $0x0, v0  }
0x104: {  	vm12 =	vcmask $0xF14;
	(xrf2) =	vadd.scan.msk.f32 $0xffff, v1;
	v1 =	vsel vm11, $0x0, v0  }
0x105: {  	vm13 =	vcmask $0x1318;
	(xrf2) =	vadd.scan.msk.f32 $0xffff, v1;
	v1 =	vsel vm12, $0x0, v0  }
0x106: {  	vm14 =	vcmask $0x171C;
	(xrf2) =	vadd.scan.msk.f32 $0xffff, v1;
	v1 =	vsel vm13, $0x0, v0  }
0x107: {  	vm15 =	vcmask $0x1B20;
	(xrf2) =	vadd.scan.msk.f32 $0xffff, v1;
	v1 =	vsel vm14, $0x0, v0  }
0x108: {  	v0 =	vsel vm15, $0x0, v0;
	(xrf2) =	vadd.scan.msk.f32 $0xffff, v1  }
0x109: {  	(xrf2) =	vadd.scan.msk.f32 $0xffff, v0;
	_ =	sdelay $0x2  }
0x10a: {  	v0, _, _ =	vpop (xrf2)  }
0x10b: {  	v1, _, _ =	vpop (xrf2);
	(v2sf) =	vpush v0, $0xF  }
0x10c: {  	v0, _, _ =	vpop (xrf2);
	(v2sf) =	vpush v1, $0xF  }
0x10d: {  	v1, _, _ =	vpop (xrf2);
	(v2sf) =	vpush v0, $0xF  }
0x10e: {  	(v2sf) =	vpush v1, $0xF;
	v0, _, _ =	vpop (xrf2)  }
0x10f: {  	(v2sf) =	vpush v0, $0xF;
	v0, _, _ =	vpop (xrf2)  }
0x110: {  	(v2sf) =	vpush v0, $0xF;
	v0, _, _ =	vpop (xrf2)  }
0x111: {  	(v2sf) =	vpush v0, $0xF;
	v0, _, _ =	vpop (xrf2)  }
0x112: {  	(v2sf) =	vpush v0, $0xF;
	_ =	sdelay $0x7  }
0x113: {  	s4 =	spop (v2sf)  }
0x114: {  	s5 =	spop (v2sf)  }
0x115: {  	s6 =	spop (v2sf)  }
0x116: {  	s7 =	spop (v2sf)  }
0x117: {  	s8 =	spop (v2sf)  }
0x118: {  	s9 =	spop (v2sf)  }
0x119: {  	s10 =	spop (v2sf)  }
0x11a: {  	s12 =	simm.s32 $0x0;
	s13 =	simm.s32 $0x0;
	v1 =	vimm.s32 $0x0;
	v0 =	vimm.s32 $0x7;
	s11 =	spop (v2sf)  }
.LBB2_3:
0x11b: {  	s15 =	sand.u32 $0xFFFFFC00, s12;
	s14 =	sand.u32 $0x70, s13;
	s16 =	sand.u32 $0x400, s12  }
0x11c: {  	s14 =	sor.u32 s14, s16;
	s15 =	sadd.s32 s15, s13  }
0x11d: {  	v2 =	vld [tilespmem:s14+$0x0];
	s18 =	sor.u32 $0x80, s15  }
0x11e: {  	v3 =	vld [tilespmem:s18+$0x0]  }
0x11f: {  	v4 =	vld [tilespmem:s14+$0x100];
	s17 =	sor.u32 $0x180, s15  }
0x120: {  	v5 =	vld [tilespmem:s17+$0x0]  }
0x121: {  	v6 =	vld [tilespmem:s14+$0x200];
	s22 =	sor.u32 $0x280, s15  }
0x122: {  	s23 =	sor.u32 s12, s13;
	v7 =	vld [tilespmem:s22+$0x0]  }
0x123: {  	v8 =	vld [tilespmem:s14+$0x300];
	s15 =	sor.u32 $0x380, s23;
	v9 =	vmax.f32 v2, v3  }
0x124: {  	v10 =	vld [tilespmem:s15+$0x0];
	v9 =	vmax.f32 v9, v4  }
0x125: {  	v9 =	vmax.f32 v9, v5  }
0x126: {  	v9 =	vmax.f32 v9, v6  }
0x127: {  	v9 =	vmax.f32 v9, v7  }
0x128: {  	v9 =	vmax.f32 v9, v8  }
0x129: {  	v9 =	vmax.f32 v9, v10  }
0x12a: {  	vm0 =	veq.f32 v8, v9  }
0x12b: {  	vm7 =	veq.f32 v7, v9;
	v11 =	vsel vm0, $0x6, v0  }
0x12c: {  	vm8 =	veq.f32 v6, v9;
	v11 =	vsel vm7, $0x5, v11  }
0x12d: {  	vm9 =	veq.f32 v5, v9;
	v11 =	vsel vm8, $0x4, v11  }
0x12e: {  	vm10 =	veq.f32 v4, v9;
	v11 =	vsel vm9, $0x3, v11  }
0x12f: {  	vm11 =	veq.f32 v3, v9;
	v11 =	vsel vm10, $0x2, v11  }
0x130: {  	vm1 =	vne.f32 v2, v9;
	vm7 =	veq.f32 v2, v9;
	v11 =	vsel vm11, $0x1, v11  }
0x131: {  	vm6 =	vmand vm1, vm11;
	v9 =	vsel vm7, $0x0, v11  }
0x132: {  	v12 =	vsel vm6, $0xBF800000, v3;
	v26 =	vsel vm7, $0xBF800000, v2;
	vm5 =	veq.s32 v9, $0x2  }
0x133: {  	v14 =	vmax.f32 v26, v12;
	vm4 =	veq.s32 v9, $0x3;
	v13 =	vsel vm5, $0xBF800000, v4  }
0x134: {  	vm3 =	veq.s32 v9, $0x4;
	v15 =	vsel vm4, $0xBF800000, v5;
	v14 =	vmax.f32 v14, v13  }
0x135: {  	vm1 =	veq.s32 v9, $0x5;
	v16 =	vsel vm3, $0xBF800000, v6;
	v14 =	vmax.f32 v14, v15  }
0x136: {  	vm2 =	veq.s32 v9, $0x6;
	v17 =	vsel vm1, $0xBF800000, v7;
	v14 =	vmax.f32 v14, v16  }
0x137: {  	vm0 =	veq.s32 v9, $0x7;
	v18 =	vsel vm2, $0xBF800000, v8;
	v27 =	vmax.f32 v14, v17  }
0x138: {  	v28 =	vsel vm0, $0xBF800000, v10;
	v9 =	vmax.f32 v27, v18  }
0x139: {  	v9 =	vmax.f32 v9, v28  }
0x13a: {  	vm8 =	veq.f32 v18, v9  }
0x13b: {  	vm12 =	veq.f32 v17, v9;
	v29 =	vsel vm8, $0x6, v0  }
0x13c: {  	vm13 =	veq.f32 v16, v9;
	v14 =	vsel vm12, $0x5, v29  }
0x13d: {  	vm14 =	veq.f32 v15, v9;
	v14 =	vsel vm13, $0x4, v14  }
0x13e: {  	vm15 =	veq.f32 v13, v9;
	v14 =	vsel vm14, $0x3, v14  }
0x13f: {  	vm12 =	veq.f32 v12, v9;
	v13 =	vsel vm15, $0x2, v14  }
0x140: {  	vm9 =	vne.f32 v26, v9;
	vm10 =	veq.f32 v26, v9;
	v12 =	vsel vm12, $0x1, v13  }
0x141: {  	vm7 =	vmor vm7, vm10;
	vm8 =	vmand vm9, vm12;
	v9 =	vsel vm10, $0x0, v12  }
0x142: {  	v30 =	vsel vm7, $0x3F800000, v1;
	vm6 =	vmor vm6, vm8;
	vm13 =	veq.s32 v9, $0x2  }
0x143: {  	(xrf2) =	vadd.scan.msk.f32 $0xffff, v30;
	v31 =	vsel vm6, $0x3F800000, v1;
	vm14 =	veq.s32 v9, $0x3;
	vm5 =	vmor vm5, vm13  }
0x144: {  	(xrf2) =	vadd.scan.msk.f32 $0xffff, v31;
	vm15 =	veq.s32 v9, $0x4;
	vm4 =	vmor vm4, vm14;
	v32 =	vsel vm5, $0x3F800000, v1  }
0x145: {  	vm3 =	vmor vm3, vm15;
	v33 =	vsel vm4, $0x3F800000, v1;
	(xrf2) =	vadd.scan.msk.f32 $0xffff, v32  }
0x146: {  	vm7 =	veq.s32 v9, $0x5;
	v34 =	vsel vm3, $0x3F800000, v1;
	(xrf2) =	vadd.scan.msk.f32 $0xffff, v33  }
0x147: {  	vm8 =	veq.s32 v9, $0x6;
	vm1 =	vmor vm1, vm7;
	(xrf2) =	vadd.scan.msk.f32 $0xffff, v34  }
0x148: {  	vm10 =	veq.s32 v9, $0x7;
	vm9 =	vmor vm2, vm8;
	v35 =	vsel vm1, $0x3F800000, v1  }
0x149: {  	vm0 =	vmor vm0, vm10;
	v36 =	vsel vm9, $0x3F800000, v1;
	(xrf2) =	vadd.scan.msk.f32 $0xffff, v35  }
0x14a: {  	v37 =	vsel vm0, $0x3F800000, v1;
	(xrf2) =	vadd.scan.msk.f32 $0xffff, v36  }
0x14b: {  	(xrf2) =	vadd.scan.msk.f32 $0xffff, v37;
	_ =	sdelay $0x1  }
0x14c: {  	v38, _, _ =	vpop (xrf2)  }
0x14d: {  	v41 =	vadd.f32 s4, v38;
	v39, _, _ =	vpop (xrf2)  }
0x14e: {  	v43 =	vadd.f32 s5, v39;
	v40, _, _ =	vpop (xrf2)  }
0x14f: {  	vm11 =	vgt.f32 v41, $1.228800050e+03;
	v42, _, _ =	vpop (xrf2);
	v44 =	vadd.f32 s6, v40  }
0x150: {  	v2 =	vsel vm11, $0x0, v2;
	vm12 =	vgt.f32 v43, $1.228800050e+03;
	v45 =	vadd.f32 s7, v42;
	v46, _, _ =	vpop (xrf2)  }
0x151: {  	v3 =	vsel vm12, $0x0, v3;
	vm13 =	vgt.f32 v44, $1.228800050e+03;
	v47 =	vadd.f32 s8, v46  }
0x152: {  	v51 =	vmax.f32 v2, v3;
	v48, _, _ =	vpop (xrf2);
	vm14 =	vgt.f32 v45, $1.228800050e+03;
	v4 =	vsel vm13, $0x0, v4  }
0x153: {  	v49, _, _ =	vpop (xrf2);
	v50 =	vadd.f32 s9, v48;
	v5 =	vsel vm14, $0x0, v5;
	vm15 =	vgt.f32 v47, $1.228800050e+03  }
0x154: {  	v19 =	vadd.f32 s10, v49;
	v20, _, _ =	vpop (xrf2);
	v18 =	vmax.f32 v51, v4;
	v6 =	vsel vm15, $0x0, v6  }
0x155: {  	vm4 =	vgt.f32 v50, $1.228800050e+03;
	v52 =	vadd.f32 s11, v20;
	v18 =	vmax.f32 v18, v5  }
0x156: {  	vm5 =	vgt.f32 v19, $1.228800050e+03;
	v7 =	vsel vm4, $0x0, v7;
	v18 =	vmax.f32 v18, v6  }
0x157: {  	v8 =	vsel vm5, $0x0, v8;
	vm6 =	vgt.f32 v52, $1.228800050e+03;
	v53 =	vmax.f32 v18, v7  }
0x158: {  	v10 =	vsel vm6, $0x0, v10;
	v13 =	vmax.f32 v53, v8  }
0x159: {  	v13 =	vmax.f32 v13, v10  }
0x15a: {  	vm7 =	veq.f32 v8, v13  }
0x15b: {  	vm8 =	veq.f32 v7, v13;
	v54 =	vsel vm7, $0x6, v0  }
0x15c: {  	vm9 =	veq.f32 v6, v13;
	v18 =	vsel vm8, $0x5, v54  }
0x15d: {  	(v2sf) =	vpush v38, $0xF;
	vm10 =	veq.f32 v5, v13;
	v55 =	vsel vm9, $0x4, v18  }
0x15e: {  	(v2sf) =	vpush v39, $0xF;
	vm11 =	veq.f32 v4, v13;
	v9 =	vsel vm10, $0x3, v55  }
0x15f: {  	(v2sf) =	vpush v40, $0xF;
	vm12 =	veq.f32 v3, v13;
	v9 =	vsel vm11, $0x2, v9  }
0x160: {  	(v2sf) =	vpush v42, $0xF;
	vm7 =	vne.f32 v2, v13;
	v9 =	vsel vm12, $0x1, v9  }
0x161: {  	(v2sf) =	vpush v46, $0xF;
	vm6 =	vmand vm7, vm12;
	v9 =	vnsel vm7, $0x0, v9  }
0x162: {  	v2 =	vnsel vm7, $0xBF800000, v2;
	v3 =	vsel vm6, $0xBF800000, v3;
	vm5 =	veq.s32 v9, $0x2  }
0x163: {  	v56 =	vmax.f32 v2, v3;
	vm4 =	veq.s32 v9, $0x3;
	v4 =	vsel vm5, $0xBF800000, v4  }
0x164: {  	vm3 =	veq.s32 v9, $0x4;
	v5 =	vsel vm4, $0xBF800000, v5;
	v11 =	vmax.f32 v56, v4  }
0x165: {  	vm2 =	veq.s32 v9, $0x5;
	v6 =	vsel vm3, $0xBF800000, v6;
	v11 =	vmax.f32 v11, v5  }
0x166: {  	vm1 =	veq.s32 v9, $0x6;
	v7 =	vsel vm2, $0xBF800000, v7;
	v11 =	vmax.f32 v11, v6  }
0x167: {  	vm0 =	veq.s32 v9, $0x7;
	v8 =	vsel vm1, $0xBF800000, v8;
	v57 =	vmax.f32 v11, v7  }
0x168: {  	(v2sf) =	vpush v48, $0xF;
	v10 =	vsel vm0, $0xBF800000, v10;
	v9 =	vmax.f32 v57, v8  }
0x169: {  	(v2sf) =	vpush v49, $0xF;
	v9 =	vmax.f32 v9, v10  }
0x16a: {  	(v2sf) =	vpush v20, $0xF;
	vm13 =	veq.f32 v8, v9  }
0x16b: {  	vm14 =	veq.f32 v7, v9;
	v8 =	vsel vm13, $0x6, v0  }
0x16c: {  	vm15 =	veq.f32 v6, v9;
	v7 =	vsel vm14, $0x5, v8  }
0x16d: {  	vm12 =	veq.f32 v5, v9;
	v6 =	vsel vm15, $0x4, v7  }
0x16e: {  	vm13 =	veq.f32 v4, v9;
	v5 =	vsel vm12, $0x3, v6  }
0x16f: {  	vm14 =	veq.f32 v3, v9;
	v4 =	vsel vm13, $0x2, v5  }
0x170: {  	vm15 =	vne.f32 v2, v9;
	v3 =	vsel vm14, $0x1, v4  }
0x171: {  	s19 =	spop (v2sf);
	vm8 =	vmand vm15, vm14;
	v2 =	vnsel vm15, $0x0, v3;
	v3 =	vsel vm15, $0x0, v9  }
0x172: {  	s24 =	spop (v2sf);
	v58 =	vnsel vm8, $0x0, v9;
	v3 =	vsel vm7, v3, v13;
	vm10 =	veq.s32 v2, $0x2  }
0x173: {  	s4 =	sadd.f32 s19, s4;
	s25 =	spop (v2sf);
	vm11 =	veq.s32 v2, $0x3;
	[tilespmem:s14+$0x800] =	vst v3;
	v3 =	vsel vm6, v13, v58;
	v59 =	vnsel vm10, $0x0, v9  }
0x174: {  	s5 =	sadd.f32 s24, s5;
	s26 =	spop (v2sf);
	vm12 =	veq.s32 v2, $0x4;
	v60 =	vnsel vm11, $0x0, v9;
	[tilespmem:s18+$0x800] =	vst v3;
	v3 =	vsel vm5, v13, v59  }
0x175: {  	p0 =	sne.s32 s13, $0xF0;
	s6 =	sadd.f32 s25, s6;
	s28 =	spop (v2sf);
	vm13 =	veq.s32 v2, $0x5;
	v61 =	vnsel vm12, $0x0, v9;
	[tilespmem:s14+$0x900] =	vst v3;
	v3 =	vsel vm4, v13, v60  }
.Ltmp1:
0x176: {  	s7 =	sadd.f32 s26, s7;
	vm14 =	veq.s32 v2, $0x6;
	v62 =	vnsel vm13, $0x0, v9;
	[tilespmem:s17+$0x800] =	vst v3;
	v3 =	vsel vm3, v13, v61;
	(pc) =	sbr.rel @p0 .LBB2_3-.Ltmp1, $4  }
0x177: {  	s29 =	spop (v2sf);
	s8 =	sadd.f32 s28, s8;
	vm15 =	veq.s32 v2, $0x7;
	v63 =	vnsel vm14, $0x0, v9;
	[tilespmem:s14+$0xA00] =	vst v3;
	v3 =	vsel vm2, v13, v62  }
0x178: {  	s30 =	spop (v2sf);
	s9 =	sadd.f32 s29, s9;
	v2 =	vsel vm1, v13, v63;
	[tilespmem:s22+$0x800] =	vst v3;
	v3 =	vnsel vm15, $0x0, v9  }
0x179: {  	s10 =	sadd.f32 s30, s10;
	s31 =	spop (v2sf);
	[tilespmem:s14+$0xB00] =	vst v2;
	v2 =	vsel vm0, v13, v3  }
0x17a: {  	s12 =	sadd.s32 $0x80, s12;
	s13 =	sadd.s32 $0x10, s13;
	s11 =	sadd.f32 s31, s11;
	[tilespmem:s15+$0x800] =	vst v2  }
0x17b: {  	s2 =	sadd.s32 s2, s3  }
0x17c: {  	s30 =	simm.s32 $0x0;
	s4 =	simm.s32 $0x800;
	s31 =	simm.s32 $0x1  }
0x17d: {  	[hbm4b:s2+s30] =	stream.linear.scatter [tilespmem:s4], [sflag:$0x1], $0x800, $0x38;
	[tilespmem:$0x1890] =	vst v63  }
0x17e: {  	_ =	swait.ge [sflag:s31], $0x800  }
0x17f: {  	[sflag:s31] =	ssyncset.done $0x0  }
0x180: {  	[sflag:s31] =	ssyncadd.s32 $0xFFFFF800  }
0x181: {  	_ =	sfence.sel $0x180000  }
0x182: {  	[bflag:$0x0] =	sbarrier.arrive $0xFFFF  }
0x183: {  	p0 =	sne.s32 s1, $0x0;
	_ =	strace $0x90000047  }
0x184: {  	s0 =	sadd.s32 @!p0 $0x100000, s0;
	[bflag:$0x2] =	sbarrier.arrive $0xFFFF  }
0x185: {  	[sflag:s0] =	ssyncadd.tile.s32 @!p0 $0x1;
	_ =	shalt  }
.Lfunc_end2:
_tile_overlayer_lowered:
.L_overlay_start_2:
0x186: {  	(tag) =	ssettag $0x2  }
0x187: {  	s0 =	rddreg [dreg:$0x0];
	s2 =	stileid.u32  }
0x188: {  	s1 =	rddreg [dreg:$0x1];
	p0 =	sne.s32 s2, $0x0  }
0x189: {  	s3 =	rddreg [dreg:$0x2];
	[bflag:$0x3] =	sbarrier.arrive $0xFFFF;
	s2 =	simm.s32 @!p0 $0x1C01  }
0x18a: {  	[timem:s3], [sflag:s2] =	dma.local @!p0 [hbm:s0], s1  }
0x18b: {  	s0 =	simm.s32 @!p0 $0x1  }
0x18c: {  	_ =	swait.ge @!p0 [sflag:s0], s1  }
0x18d: {  	s1 =	ssub.s32 @!p0 $0x0, s1;
	[sflag:s0] =	ssyncset.done @!p0 $0x0  }
0x18e: {  	[sflag:s0] =	ssyncadd.s32 @!p0 s1  }
0x18f: {  	[bflag:$0x3] =	sbarrier.arrive $0xFFFF  }
0x190: {  	_ =	shalt  }

// kernel: sparse-core-data-format-call.cloned.1.call-start
scs
called_computation_lowered:
.L_overlay_start_0:
0x0: {  	s2 =	sld [smem:$0x3FD9]  }
0x1: {  	s3 =	sld [smem:$0x3FFE];
	_ =	sdelay $0x1  }
0x2: {  	s1 =	srdreg.scid  }
0x3: {  	s0 =	sand.u32 $0x1, s1  }
0x4: {  	s18 =	sshll.u32 s0, $0xA;
	s2 =	sadd.s32 s3, s2  }
0x5: {  	s2 =	sadd.s32 s2, s18  }
0x6: {  	[smem:$0x3FC1] =	sst s2  }
0x7: {  	_ = 	snop  }
0x8: {  	(tm) =	ssettm $0x1  }
0x9: {  	s19 =	sld [smem:$0x3FFB];
	_ =	sdelay $0x3  }
0xa: {  	_ =	strace s19  }
0xb: {  	s2 =	sld [smem:$0x3FFC];
	_ =	sdelay $0x3  }
0xc: {  	_ =	strace s2  }
0xd: {  	s2 =	sld [smem:$0x3FFD];
	_ =	sdelay $0x3  }
0xe: {  	_ =	strace s2  }
0xf: {  	_ =	strace $0x8FFFFFFF  }
0x10: {  	s20 =	sld [smem:$0x3FDB];
	_ =	sdelay $0x1  }
0x11: {  	s21 =	simm.s32 $_scs_section_size  }
0x12: {  	s4 =	simm.s32 $_size__tile_overlayer_lowered;
	s5 =	simm.s32 $_tile_overlayer_lowered  }
0x13: {  	s6 =	simm.s32 $0x1BFF;
	s22 =	sshll.u32 s5, $0x1;
	s3 =	sadd.s32 s21, s20  }
0x14: {  	s23 =	simm.s32 $0x0;
	s4 =	sshll.u32 s4, $0x1;
	s5 =	sadd.s32 s22, s3  }
0x15: {  	[timem:s23], [sflag:s6] =	dma.local [hbm:s5], s4  }
0x16: {  	_ =	swait.ge [sflag:s6], s4  }
0x17: {  	s4 =	ssub.s32 $0x0, s4;
	[sflag:s6] =	ssyncset.done $0x0  }
0x18: {  	[sflag:s6] =	ssyncadd.s32 s4;
	_ =	sdelay $0x1  }
0x19: {  	s24 =	simm.s32 $0x1B8B  }
0x1a: {  	_ =	swait.ge [sflag:s24], $0x1  }
0x1b: {  	[sflag:s24] =	ssyncset.done $0x0  }
0x1c: {  	[sflag:s24] =	ssyncadd.s32 $0xFFFFFFFF  }
0x1d: {  	s4 =	sld [smem:$0x0]  }
0x1e: {  	s5 =	sand.u32 $0xFFFFFFFE, s1  }
0x1f: {  	p0 =	sne.s32 s1, s5  }
0x20: {  	s5 =	sshll.u32 @p0 s5, $0xE  }
0x21: {  	s5 =	sadd.s32 @p0 $0x11B8D, s5;
	s6 =	sshll.u32 @p0 s4, $0x11  }
0x22: {  	s5 =	sor.u32 @p0 s6, s5  }
0x23: {  	[sflag:s5] =	ssyncadd.remote.s32 @p0 $0x1;
	_ =	sdelay $0x1  }
0x24: {  	s5 =	simm.s32 @p0 $0x1B8D  }
0x25: {  	_ =	swait.eq @p0 [sflag:s5], $0x1  }
0x26: {  	[sflag:s5] =	ssyncadd.s32 @p0 $0xFFFFFFFF  }
0x27: {  	s6 =	sshll.u32 @!p0 s1, $0xE  }
0x28: {  	s6 =	sor.u32 @!p0 $0x4000, s6;
	s5 =	simm.s32 @!p0 $0x1B8D  }
0x29: {  	s4 =	sshll.u32 @!p0 s4, $0x11;
	s6 =	sadd.s32 @!p0 $0x11B8D, s6;
	_ =	swait.eq @!p0 [sflag:s5], $0x1  }
0x2a: {  	s4 =	sor.u32 @!p0 s4, s6;
	[sflag:s5] =	ssyncadd.s32 @!p0 $0xFFFFFFFF  }
0x2b: {  	s26 =	simm.s32 $0x1B8E;
	s25 =	sld [smem:$0x3FFE];
	[sflag:s4] =	ssyncadd.remote.s32 @!p0 $0x1  }
0x2c: {  	s27 =	simm.s32 $execute0_lowered;
	[smem:$0x3FD2] =	sst s26  }
0x2d: {  	s5 =	sshll.u32 s27, $0x1;
	_ =	strace $0x80000049;
	[dreg:$0x1] =	wrdreg $0xFFFFFFFF  }
0x2e: {  	s28 =	simm.s32 $_size_execute0_lowered;
	s3 =	sadd.s32 s3, s5;
	[dreg:$0x0] =	wrdreg $0x0  }
0x2f: {  	s5 =	sshll.u32 s28, $0x1;
	[dreg:$0x2] =	wrdreg s3  }
0x30: {  	[dreg:$0x3] =	wrdreg s5  }
0x31: {  	[dreg:$0x4] =	wrdreg $0xC0  }
0x32: {  	_ =	task [dreg:s23], $0x5FFFF  }
0x33: {  	[dreg:$0x1] =	wrdreg $0xFFFFFFFF  }
0x34: {  	[dreg:$0x0] =	wrdreg $0x60  }
0x35: {  	[dreg:$0x2] =	wrdreg s25  }
0x36: {  	[dreg:$0x3] =	wrdreg $0x9  }
0x37: {  	_ =	task.clear_ibuf [dreg:s23], $0x4FFFF;
	_ =	strace $0x90000049  }
0x38: {  	s29 =	simm.s32 $0x9;
	_ =	strace $0x8000004B  }
0x39: {  	_ =	swait.ge [sflag:s29], $0x1  }
0x3a: {  	[sflag:s29] =	ssyncadd.s32 $0xFFFFFFFF  }
0x3b: {  	_ =	strace $0x9000004B  }
0x3c: {  	_ =	sfence  }
0x3d: {  	s30 =	sld [smem:$0x0];
	_ =	sdelay $0x2  }
0x3e: {  	s31 =	sshll.u32 s1, $0xD;
	s1 =	sshrl.u32 s1, $0x2  }
0x3f: {  	s4 =	sand.u32 $0x4000, s31;
	s1 =	sadd.s32 s1, s30  }
0x40: {  	s0 =	sor.u32 s4, s0;
	s1 =	sshll.u32 s1, $0x11  }
0x41: {  	s0 =	sor.u32 s1, s0  }
0x42: {  	s0 =	sadd.s32 $0x8F2B, s0  }
0x43: {  	[sflag:s0] =	ssyncadd.remote.s32 $0x1  }
0x44: {  	_ =	sfence.sel $0xFFFF  }
0x45: {  	[dreg:$0x0] =	wrdreg $0xFFFFFFFF;
	(pc) =	sbr.abs _section_cstart, $3  }
0x46: {  	[dreg:$0x1] =	wrdreg $0xFFFFFFFF  }
0x47: {  	_ =	task.clear_ibuf [dreg:s23], $0x2FFFF;
	_ =	strace $0x9FFFFFFF  }
0x48: {  	(tm) =	ssettm $0x7FFFFFFF  }
0x49: {  	_ =	shalt  }
tec
execute0_lowered:
.L_overlay_start_1:
0x0: {  	(tag) =	ssettag $0x1  }
0x1: {  	s1 =	rddreg [dreg:$0x0]  }
0x2: {  	s0 =	rddreg [dreg:$0x1]  }
0x3: {  	_ =	strace $0x8000004A;
	s4 =	srdreg.scid;
	s6 =	simm.s32 $0x2  }
0x4: {  	s12 =	simm.s32 $0x0;
	p0 =	por $0x0, $0x0;
	s13 =	simm.s32 $0x0  }
0x5: {  	s15 =	simm.s32 $0x0;
	s14 =	simm.s32 $0x0;
	s8 =	simm.s32 $0x0  }
.Ltmp0:
0x6: {  	s9 =	simm.s32 $0x0;
	s10 =	simm.s32 $0x0;
	(pc) =	sbr.rel .LBB1_1-.Ltmp0, $4  }
0x7: {  	s2 =	sadd.s32 $0xE00, s1;
	s3 =	sadd.s32 $0x200E00, s1;
	s5 =	sshll.u32 s4, $0x4  }
0x8: {  	s1 =	stileid.u32;
	s4 =	simm.s32 $0x1;
	s5 =	sand.u32 $0x10, s5  }
0x9: {  	s7 =	simm.s32 $0x0;
	[sflag:s4] =	ssyncpa.u1 $0x0;
	s5 =	sor.u32 s1, s5  }
0xa: {  	[sflag:s6] =	ssyncpa.u1 $0x0;
	s6 =	simm.s32 $0x1000;
	s11 =	smov.u32 s5  }
.LBB1_9:
0xb: {  	s16 =	sadd.s32 $0x200, s8  }
0xc: {  	s12 =	sadd.s32 $0x8, s9;
	s17 =	smov.u32 s9;
	p2 =	sgt.s32 s16, $0x3FF  }
0xd: {  	s17 =	smov.u32 @p2 s12  }
0xe: {  	s18 =	smov.u32 s10;
	s12 =	sadd.s32 $0x8, s10;
	p3 =	sgt.s32 s17, $0x7  }
0xf: {  	s18 =	smov.u32 @p3 s12  }
0x10: {  	s19 =	smov.u32 s11;
	s12 =	sadd.s32 $0x20, s11;
	p4 =	sgt.s32 s18, $0x7  }
0x11: {  	p1 =	slt.u32 s7, $0x2;
	s19 =	smov.u32 @p4 s12  }
0x12: {  	s7 =	sadd.s32 $0x1, s7;
	s16 =	simm.s32 @p2 $0x0;
	p2 =	sgt.s32 s19, $0x1FF  }
0x13: {  	s20 =	simm.s32 @!p1 $0x2;
	s19 =	smov.u32 @p2 s5;
	p2 =	sne.s32 s7, $0x22  }
.Ltmp1:
0x14: {  	s13 =	smov.u32 s9;
	_ =	swait.ge @!p1 [sflag:s20], $0x4000;
	(pc) =	sbr.rel @!p2 .LBB1_10-.Ltmp1, $4  }
0x15: {  	s15 =	smov.u32 s10;
	s14 =	smov.u32 s11;
	[sflag:s20] =	ssyncset.done @!p1 $0x0  }
0x16: {  	p0 =	por !p0, !p0;
	s17 =	simm.s32 @p3 $0x0;
	[sflag:s20] =	ssyncadd.s32 @!p1 $0xFFFFC000  }
0x17: {  	s9 =	smov.u32 s17;
	s18 =	simm.s32 @p4 $0x0;
	s12 =	smov.u32 s8  }
0x18: {  	s8 =	smov.u32 s16;
	s10 =	smov.u32 s18;
	s11 =	smov.u32 s19  }
.LBB1_1:
0x19: {  	p1 =	sgt.u32 s7, $0x1F  }
0x1a: {  	s16 =	sshll.u32 @!p1 s9, $0x7;
	s17 =	sshll.u32 @!p1 s8, $0x1  }
0x1b: {  	s16 =	sand.u32 @!p1 $0x300, s16;
	s17 =	sand.u32 @!p1 $0xF0, s17  }
0x1c: {  	s16 =	sor.u32 @!p1 s16, s17;
	s17 =	sshll.u32 @!p1 s11, $0xC  }
0x1d: {  	s18 =	sshll.u32 @!p1 s10, $0x9;
	s19 =	sshrl.u32 @!p1 s8, $0x1;
	s17 =	sadd.s32 @!p1 s2, s17  }
0x1e: {  	s20 =	sxor.u32 @!p1 $0xFFFFFFFF, s7;
	s19 =	sand.u32 @!p1 $0x1C0, s19;
	s17 =	sadd.s32 @!p1 s18, s17  }
0x1f: {  	s16 =	sshrl.u32 @!p1 s16, $0x4;
	s18 =	sand.u32 @!p1 $0x7, s8;
	s17 =	sadd.s32 @!p1 s19, s17  }
0x20: {  	s18 =	sshll.u32 @!p1 s18, $0x12;
	s16 =	sadd.s32 @!p1 s16, s17;
	s17 =	sshll.u32 @!p1 s20, $0xE  }
0x21: {  	s19 =	simm.s32 @!p1 $0x1000;
	s18 =	sor.u32 @!p1 $0x800, s18;
	s17 =	sand.u32 @!p1 $0x4000, s17  }
0x22: {  	[tilespmem:s17], [sflag:$0x1] =	stream.strided.gather @!p1 [hbm4b:s16+s18], $0x4000, s19, s18, $0x38;
	[tilespmem:$0x10000] =	vst v63  }
0x23: {  	p1 =	seq.s32 s7, $0x0  }
0x24: {  	p2 =	seq.s32 @!p1 s7, $0x21  }
0x25: {  	p1 =	por p1, p2  }
.Ltmp2:
0x26: {  	_ = 	snop;
	(pc) =	sbr.rel @p1 .LBB1_9-.Ltmp2, $1  }
0x27: {  	_ =	sdelay $0x3  }
0x28: {  	s16 =	simm.s32 $0x1;
	_ =	swait.ge [sflag:s4], $0x4000;
	s18 =	sshll.u32 s7, $0xE  }
0x29: {  	s20 =	simm.s32 $0x0;
	p1 =	por $0x0, $0x0;
	s16 =	simm.s32 @!p0 $0x0  }
0x2a: {  	[sflag:s4] =	ssyncset.done $0x0;
	s18 =	sand.u32 $0x4000, s18;
	s16 =	sshll.u32 s16, $0x10  }
0x2b: {  	[sflag:s4] =	ssyncadd.s32 $0xFFFFC000;
	s17 =	sshrl.u32 s16, $0x2;
	s19 =	sshrl.u32 s16, $0x2  }
0x2c: {  	s16 =	sor.u32 $0x8000, s18;
	s18 =	sadd.s32 $0x8870, s19;
	s19 =	simm.s32 $0x0  }
.LBB1_3:
0x2d: {  	s21 =	simm.s32 $0x1  }
0x2e: {  	s22 =	sshll.u32 s19, $0x1;
	s21 =	simm.s32 @!p1 $0x0  }
0x2f: {  	s22 =	sand.u32 $0xFFFFFC00, s22;
	s21 =	sshll.u32 s21, $0x9  }
0x30: {  	s21 =	sor.u32 s21, s22  }
0x31: {  	p2 =	por $0x0, $0x0;
	s21 =	sshrl.u32 s21, $0x2  }
0x32: {  	s23 =	simm.s32 $0x0;
	s22 =	simm.s32 $0x0;
	s21 =	sadd.s32 s21, s18  }
.LBB1_4:
0x33: {  	s24 =	simm.s32 $0x1  }
0x34: {  	s25 =	sshll.u32 s22, $0x2;
	s24 =	simm.s32 @!p2 $0x0  }
0x35: {  	s25 =	sand.u32 $0xFFFFFC00, s25;
	s24 =	sshll.u32 s24, $0x9  }
0x36: {  	s24 =	sor.u32 s24, s25  }
0x37: {  	s24 =	sshrl.u32 s24, $0x2  }
0x38: {  	s24 =	sadd.s32 s24, s17  }
0x39: {  	v1 =	vmov s24;
	_ =	sdelay $0x3  }
0x3a: {  	s24 =	simm.s32 $0x0  }
0x3b: {  	v2 =	vld.idx.msk [tilespmem:v1+s24+$0x70 ss:$0x1], $0xffff  }
0x3c: {  	v3 =	vld.idx.msk [tilespmem:v1+s24+$0x870 ss:$0x1], $0xffff  }
0x3d: {  	v4 =	vld.idx.msk [tilespmem:v1+s24+$0x0 ss:$0x1], $0xffff  }
0x3e: {  	v5 =	vld.idx.msk [tilespmem:v1+s24+$0x800 ss:$0x1], $0xffff  }
0x3f: {  	v6 =	vld.idx.msk [tilespmem:v1+s24+$0x10 ss:$0x1], $0xffff  }
0x40: {  	v7 =	vld.idx.msk [tilespmem:v1+s24+$0x810 ss:$0x1], $0xffff;
	_ =	sdelay $0x1  }
0x41: {  	v0 =	vmov s21;
	v9 =	vld.idx.msk [tilespmem:v1+s24+$0x20 ss:$0x1], $0xffff;
	v8 =	vunpack.i.l.s16.s32 v2  }
0x42: {  	v12 =	vld.idx.msk [tilespmem:v1+s24+$0x820 ss:$0x1], $0xffff;
	v10 =	vunpack.i.l.s16.s32 v3;
	v2 =	vunpack.i.u.s16.s32 v2;
	v3 =	vunpack.i.u.s16.s32 v3  }
0x43: {  	v13 =	vld.idx.msk [tilespmem:v1+s24+$0x30 ss:$0x1], $0xffff;
	v11 =	vunpack.i.u.s16.s32 v4;
	v14 =	vunpack.i.u.s16.s32 v5;
	v5 =	vunpack.i.l.s16.s32 v5  }
0x44: {  	v15 =	vld.idx.msk [tilespmem:v1+s24+$0x830 ss:$0x1], $0xffff;
	v16 =	vunpack.i.u.s16.s32 v6;
	v17 =	vunpack.i.l.s16.s32 v6;
	v18 =	vunpack.i.u.s16.s32 v7  }
0x45: {  	v7 =	vunpack.i.l.s16.s32 v7;
	v6 =	vld.idx.msk [tilespmem:v1+s24+$0x850 ss:$0x1], $0xffff;
	v8 =	vpack.i.b32.b16 v10, v8;
	v10 =	vunpack.i.l.s16.s32 v4  }
0x46: {  	v3 =	vpack.i.b32.b16 v3, v2;
	v2 =	vld.idx.msk [tilespmem:v1+s24+$0x40 ss:$0x1], $0xffff;
	v7 =	vpack.i.b32.b16 v7, v17;
	[tilespmem:v0+s24+$0xFFFFF800 ss:$0x1] =	vst.idx.msk $0xffff, v8  }
0x47: {  	v4 =	vld.idx.msk [tilespmem:v1+s24+$0x840 ss:$0x1], $0xffff;
	v16 =	vpack.i.b32.b16 v18, v16;
	v5 =	vpack.i.b32.b16 v5, v10;
	[tilespmem:v0+s24+$0xFFFFF7A0 ss:$0x1] =	vst.idx.msk $0xffff, v7  }
0x48: {  	v8 =	vunpack.i.u.s16.s32 v9;
	v10 =	vunpack.i.l.s16.s32 v9;
	v9 =	vunpack.i.u.s16.s32 v13;
	[tilespmem:v0+s24+$0x0 ss:$0x1] =	vst.idx.msk $0xffff, v3;
	v3 =	vld.idx.msk [tilespmem:v1+s24+$0x50 ss:$0x1], $0xffff  }
0x49: {  	v13 =	vunpack.i.l.s16.s32 v13;
	v7 =	vld.idx.msk [tilespmem:v1+s24+$0x860 ss:$0x1], $0xffff;
	[tilespmem:v0+s24+$0xFFFFF790 ss:$0x1] =	vst.idx.msk $0xffff, v5;
	v5 =	vpack.i.b32.b16 v14, v11;
	v11 =	vunpack.i.u.s16.s32 v12  }
0x4a: {  	s26 =	simm.s32 $0x800;
	s25 =	simm.s32 $0x0;
	v14 =	vunpack.i.l.s16.s32 v12;
	v12 =	vunpack.i.u.s16.s32 v15;
	v15 =	vunpack.i.l.s16.s32 v15;
	[tilespmem:v0+s24+$0xFFFFFF90 ss:$0x1] =	vst.idx.msk $0xffff, v5;
	v5 =	vld.idx.msk [tilespmem:v1+s24+$0x60 ss:$0x1], $0xffff  }
.LBB1_5:
0x4b: {  	s27 =	sshra.s32 s26, $0x2;
	[tilespmem:v0+s24+$0xFFFFFFA0 ss:$0x1] =	vst.idx.msk $0xffff, v16;
	v10 =	vpack.i.b32.b16 v14, v10;
	v14 =	vunpack.i.u.s16.s32 v2;
	v2 =	vunpack.i.l.s16.s32 v2  }
0x4c: {  	v8 =	vpack.i.b32.b16 v11, v8;
	v16 =	vld.idx.msk [tilespmem:v1+s27+$0x70 ss:$0x1], $0xffff;
	[tilespmem:v0+s24+$0xFFFFF7B0 ss:$0x1] =	vst.idx.msk $0xffff, v10;
	v10 =	vunpack.i.u.s16.s32 v4;
	v4 =	vunpack.i.l.s16.s32 v4  }
0x4d: {  	s25 =	sadd.s32 $0x80, s25;
	v11 =	vld.idx.msk [tilespmem:v1+s27+$0x870 ss:$0x1], $0xffff;
	[tilespmem:v0+s24+$0xFFFFFFB0 ss:$0x1] =	vst.idx.msk $0xffff, v8;
	v8 =	vpack.i.b32.b16 v15, v13;
	v13 =	vunpack.i.u.s16.s32 v3;
	v3 =	vunpack.i.l.s16.s32 v3  }
0x4e: {  	p3 =	slt.u32 s25, $0x180;
	v15 =	vld.idx.msk [tilespmem:v1+s27+$0x0 ss:$0x1], $0xffff;
	[tilespmem:v0+s24+$0xFFFFF7C0 ss:$0x1] =	vst.idx.msk $0xffff, v8;
	v8 =	vpack.i.b32.b16 v12, v9;
	v9 =	vunpack.i.u.s16.s32 v6;
	v6 =	vunpack.i.l.s16.s32 v6  }
0x4f: {  	v2 =	vpack.i.b32.b16 v4, v2;
	v4 =	vunpack.i.u.s16.s32 v5;
	v5 =	vunpack.i.l.s16.s32 v5;
	v12 =	vld.idx.msk [tilespmem:v1+s27+$0x800 ss:$0x1], $0xffff;
	[tilespmem:v0+s24+$0xFFFFFFC0 ss:$0x1] =	vst.idx.msk $0xffff, v8  }
0x50: {  	v8 =	vld.idx.msk [tilespmem:v1+s27+$0x10 ss:$0x1], $0xffff;
	[tilespmem:v0+s24+$0xFFFFF7D0 ss:$0x1] =	vst.idx.msk $0xffff, v2;
	v2 =	vpack.i.b32.b16 v10, v14;
	v10 =	vunpack.i.u.s16.s32 v7;
	v7 =	vunpack.i.l.s16.s32 v7  }
0x51: {  	v3 =	vpack.i.b32.b16 v6, v3;
	v6 =	vpack.i.b32.b16 v9, v13;
	v14 =	vld.idx.msk [tilespmem:v1+s27+$0x810 ss:$0x1], $0xffff;
	v5 =	vpack.i.b32.b16 v7, v5  }
0x52: {  	v9 =	vpack.i.b32.b16 v10, v4;
	v7 =	vld.idx.msk [tilespmem:v1+s27+$0x20 ss:$0x1], $0xffff;
	[tilespmem:v0+s24+$0xFFFFFFD0 ss:$0x1] =	vst.idx.msk $0xffff, v2  }
0x53: {  	v2 =	vunpack.i.l.s16.s32 v16;
	v4 =	vunpack.i.l.s16.s32 v11;
	v13 =	vld.idx.msk [tilespmem:v1+s27+$0x820 ss:$0x1], $0xffff;
	[tilespmem:v0+s24+$0xFFFFF7E0 ss:$0x1] =	vst.idx.msk $0xffff, v3  }
0x54: {  	v10 =	vunpack.i.u.s16.s32 v11;
	v3 =	vunpack.i.u.s16.s32 v16;
	v2 =	vpack.i.b32.b16 v4, v2;
	v17 =	vld.idx.msk [tilespmem:v1+s27+$0x30 ss:$0x1], $0xffff;
	[tilespmem:v0+s24+$0xFFFFFFE0 ss:$0x1] =	vst.idx.msk $0xffff, v6  }
0x55: {  	v11 =	vunpack.i.l.s16.s32 v15;
	v6 =	vunpack.i.u.s16.s32 v15;
	v3 =	vpack.i.b32.b16 v10, v3;
	v15 =	vld.idx.msk [tilespmem:v1+s27+$0x830 ss:$0x1], $0xffff;
	[tilespmem:v0+s27+$0xFFFFF800 ss:$0x1] =	vst.idx.msk $0xffff, v2  }
0x56: {  	v16 =	vunpack.i.u.s16.s32 v12;
	v10 =	vunpack.i.l.s16.s32 v12;
	v12 =	vunpack.i.u.s16.s32 v8;
	v2 =	vld.idx.msk [tilespmem:v1+s27+$0x40 ss:$0x1], $0xffff;
	[tilespmem:v0+s27+$0x0 ss:$0x1] =	vst.idx.msk $0xffff, v3  }
.Ltmp3:
0x57: {  	v18 =	vunpack.i.l.s16.s32 v8;
	v19 =	vunpack.i.u.s16.s32 v14;
	v20 =	vunpack.i.l.s16.s32 v14;
	v4 =	vld.idx.msk [tilespmem:v1+s27+$0x840 ss:$0x1], $0xffff;
	[tilespmem:v0+s24+$0xFFFFF7F0 ss:$0x1] =	vst.idx.msk $0xffff, v5;
	(pc) =	sbr.rel @p3 .LBB1_5-.Ltmp3, $4  }
0x58: {  	v5 =	vpack.i.b32.b16 v10, v11;
	v8 =	vunpack.i.u.s16.s32 v7;
	v10 =	vunpack.i.l.s16.s32 v7;
	v3 =	vld.idx.msk [tilespmem:v1+s27+$0x50 ss:$0x1], $0xffff;
	[tilespmem:v0+s24+$0xFFFFFFF0 ss:$0x1] =	vst.idx.msk $0xffff, v9;
	s24 =	smov.u32 s27  }
0x59: {  	v11 =	vunpack.i.u.s16.s32 v13;
	v14 =	vunpack.i.l.s16.s32 v13;
	[tilespmem:v0+s24+$0xFFFFF790 ss:$0x1] =	vst.idx.msk $0xffff, v5;
	v5 =	vpack.i.b32.b16 v16, v6;
	v6 =	vld.idx.msk [tilespmem:v1+s24+$0x850 ss:$0x1], $0xffff  }
0x5a: {  	v7 =	vpack.i.b32.b16 v20, v18;
	v9 =	vunpack.i.u.s16.s32 v17;
	v13 =	vunpack.i.l.s16.s32 v17;
	[tilespmem:v0+s24+$0xFFFFFF90 ss:$0x1] =	vst.idx.msk $0xffff, v5;
	v5 =	vld.idx.msk [tilespmem:v1+s24+$0x60 ss:$0x1], $0xffff  }
0x5b: {  	s26 =	sadd.s32 $0x800, s26;
	v16 =	vpack.i.b32.b16 v19, v12;
	v12 =	vunpack.i.u.s16.s32 v15;
	v15 =	vunpack.i.l.s16.s32 v15;
	[tilespmem:v0+s24+$0xFFFFF7A0 ss:$0x1] =	vst.idx.msk $0xffff, v7;
	v7 =	vld.idx.msk [tilespmem:v1+s24+$0x860 ss:$0x1], $0xffff  }
0x5c: {  	_ =	sdelay $0x3  }
0x5d: {  	[tilespmem:v0+s24+$0xFFFFFFA0 ss:$0x1] =	vst.idx.msk $0xffff, v16;
	v1 =	vpack.i.b32.b16 v14, v10  }
0x5e: {  	v46 =	vpack.i.b32.b16 v15, v13;
	[tilespmem:v0+s24+$0xFFFFF7B0 ss:$0x1] =	vst.idx.msk $0xffff, v1  }
0x5f: {  	v45 =	vpack.i.b32.b16 v11, v8;
	[tilespmem:v0+s24+$0xFFFFF7C0 ss:$0x1] =	vst.idx.msk $0xffff, v46  }
0x60: {  	v47 =	vunpack.i.l.s16.s32 v2;
	v48 =	vunpack.i.l.s16.s32 v4;
	v49 =	vpack.i.b32.b16 v12, v9;
	[tilespmem:v0+s24+$0xFFFFFFB0 ss:$0x1] =	vst.idx.msk $0xffff, v45  }
0x61: {  	v50 =	vunpack.i.u.s16.s32 v2;
	v51 =	vunpack.i.u.s16.s32 v4;
	v52 =	vpack.i.b32.b16 v48, v47;
	[tilespmem:v0+s24+$0xFFFFFFC0 ss:$0x1] =	vst.idx.msk $0xffff, v49  }
0x62: {  	p3 =	slt.u32 s23, $0x6;
	v53 =	vunpack.i.l.s16.s32 v3;
	v55 =	vpack.i.b32.b16 v51, v50;
	v54 =	vunpack.i.l.s16.s32 v6;
	[tilespmem:v0+s24+$0xFFFFF7D0 ss:$0x1] =	vst.idx.msk $0xffff, v52  }
.Ltmp4:
0x63: {  	v56 =	vunpack.i.u.s16.s32 v3;
	v57 =	vunpack.i.u.s16.s32 v6;
	v58 =	vpack.i.b32.b16 v54, v53;
	[tilespmem:v0+s24+$0xFFFFFFD0 ss:$0x1] =	vst.idx.msk $0xffff, v55;
	(pc) =	sbr.rel @p3 .LBB1_4-.Ltmp4, $4  }
0x64: {  	v59 =	vunpack.i.l.s16.s32 v5;
	v2 =	vpack.i.b32.b16 v57, v56;
	v60 =	vunpack.i.l.s16.s32 v7;
	[tilespmem:v0+s24+$0xFFFFF7E0 ss:$0x1] =	vst.idx.msk $0xffff, v58  }
0x65: {  	v61 =	vunpack.i.u.s16.s32 v5;
	v62 =	vunpack.i.u.s16.s32 v7;
	v1 =	vpack.i.b32.b16 v60, v59;
	[tilespmem:v0+s24+$0xFFFFFFE0 ss:$0x1] =	vst.idx.msk $0xffff, v2  }
0x66: {  	s23 =	sadd.s32 $0x2, s23;
	v63 =	vpack.i.b32.b16 v62, v61;
	[tilespmem:v0+s24+$0xFFFFF7F0 ss:$0x1] =	vst.idx.msk $0xffff, v1  }
0x67: {  	s21 =	sadd.s32 $0x1000, s21;
	s22 =	sadd.s32 $0x80, s22;
	p2 =	por !p2, !p2;
	[tilespmem:v0+s24+$0xFFFFFFF0 ss:$0x1] =	vst.idx.msk $0xffff, v63  }
0x68: {  	p2 =	slt.u32 s20, $0x6  }
.Ltmp5:
0x69: {  	_ = 	snop;
	(pc) =	sbr.rel @p2 .LBB1_3-.Ltmp5, $3  }
0x6a: {  	_ =	sdelay $0x1  }
0x6b: {  	s21 =	sadd.s32 $0x2, s20;
	s19 =	sadd.s32 $0x100, s19  }
0x6c: {  	p1 =	por !p1, !p1;
	s17 =	sadd.s32 $0x1000, s17;
	s20 =	smov.u32 s21  }
0x6d: {  	s15 =	sshll.u32 s15, $0x7  }
0x6e: {  	s17 =	sshll.u32 s12, $0x1;
	s14 =	sshll.u32 s14, $0xC;
	s13 =	sshll.u32 s13, $0x9  }
0x6f: {  	s29 =	sshrl.u32 s12, $0x1;
	s30 =	sand.u32 $0x7, s12;
	s15 =	sand.u32 $0x300, s15  }
.Ltmp6:
0x70: {  	s17 =	sand.u32 $0xF0, s17;
	s14 =	sadd.s32 s3, s14;
	(pc) =	sbr.rel .LBB1_9-.Ltmp6, $4  }
0x71: {  	s15 =	sor.u32 s15, s17;
	s17 =	sand.u32 $0x1C0, s29;
	s13 =	sadd.s32 s13, s14  }
0x72: {  	s12 =	sshll.u32 s30, $0x12;
	s31 =	sshrl.u32 s15, $0x4;
	s13 =	sadd.s32 s17, s13  }
0x73: {  	s12 =	sor.u32 $0x800, s12;
	s13 =	sadd.s32 s31, s13  }
0x74: {  	[hbm4b:s13+s12] =	stream.strided.scatter [tilespmem:s16], [sflag:$0x2], $0x4000, s6, s12, $0x38;
	[tilespmem:$0x10000] =	vst v63  }
.LBB1_10:
0x75: {  	_ =	sfence.sel $0x180000  }
0x76: {  	s2 =	simm.s32 $0x1;
	[bflag:$0x0] =	sbarrier.arrive $0xFFFF  }
0x77: {  	s31 =	simm.s32 $0x2;
	[sflag:s2] =	ssyncpa.u1 $0x1  }
0x78: {  	[sflag:s31] =	ssyncpa.u1 $0x1  }
0x79: {  	p0 =	sne.s32 s1, $0x0;
	_ =	strace $0x9000004A  }
0x7a: {  	s0 =	sadd.s32 @!p0 $0x100000, s0;
	[bflag:$0x2] =	sbarrier.arrive $0xFFFF  }
0x7b: {  	[sflag:s0] =	ssyncadd.tile.s32 @!p0 $0x1;
	_ =	shalt  }
.Lfunc_end1:
_tile_overlayer_lowered:
.L_overlay_start_2:
0x7c: {  	(tag) =	ssettag $0x2  }
0x7d: {  	s0 =	rddreg [dreg:$0x0];
	s2 =	stileid.u32  }
0x7e: {  	s1 =	rddreg [dreg:$0x1];
	p0 =	sne.s32 s2, $0x0  }
0x7f: {  	s3 =	rddreg [dreg:$0x2];
	[bflag:$0x3] =	sbarrier.arrive $0xFFFF;
	s2 =	simm.s32 @!p0 $0x1C01  }
0x80: {  	[timem:s3], [sflag:s2] =	dma.local @!p0 [hbm:s0], s1  }
0x81: {  	s0 =	simm.s32 @!p0 $0x1  }
0x82: {  	_ =	swait.ge @!p0 [sflag:s0], s1  }
0x83: {  	s1 =	ssub.s32 @!p0 $0x0, s1;
	[sflag:s0] =	ssyncset.done @!p0 $0x0  }
0x84: {  	[sflag:s0] =	ssyncadd.s32 @!p0 s1  }
0x85: {  	[bflag:$0x3] =	sbarrier.arrive $0xFFFF  }
0x86: {  	_ =	shalt  }

</sc_bundles>
